<compile_context>
chip_gen: v7x
topology: tpu7x:2x2x1
jax: 0.10.2.dev20260603
libtpu: 0.0.44.dev20260713+nightly
codegen_flags: <defaults>
</compile_context>

<pallas_src>
import jax
import jax.numpy as jnp
from jax import lax
from jax.experimental import pallas as pl
from jax.experimental.pallas import tpu as pltpu
from jax.experimental.pallas import tpu_sc as plsc

H = 384
W = 1280
NCAM = 5
HWSZ = H * W
NPTS = 120000
NTILES = 32
PT = 3840
NPAD = NTILES * PT
BH = 32
GCH = 3840
NG = PT // GCH
FR = 512
CH = 16
PPR = 128 // CH


def _score_block(x_ref, o_ref):
    x = x_ref[0]
    mx = jnp.max(x, axis=0)
    e = jnp.exp(x - mx[None, :, :])
    inv = 1.0 / jnp.sum(e, axis=0)
    g0 = jnp.sum(e[:11], axis=0) * inv
    g1 = e[18] * inv
    g2 = (e[13] + e[14] + e[15] + e[16]) * inv
    g3 = e[11] * inv
    g4 = e[12] * inv
    g5 = e[17] * inv
    z = jnp.zeros_like(g0)
    o_ref[:, 0] = jnp.stack([g0, g1, g2, g3, g4, g5] + [z] * 10, axis=0)


def _scores(seg):
    return pl.pallas_call(
        _score_block,
        grid=(NCAM, H // BH),
        in_specs=[pl.BlockSpec((1, 19, BH, W), lambda i, h: (i, 0, h, 0))],
        out_specs=pl.BlockSpec((CH, 1, BH, W), lambda i, h: (0, i, h, 0)),
        out_shape=jax.ShapeDtypeStruct((CH, NCAM, H, W), jnp.float32),
    )(seg)


def _paint_body(idx_hbm, table_hbm, acc_hbm, idx_v, acc_v, sem):
    wid = lax.axis_index("s") * 2 + lax.axis_index("c")
    base = wid * PT
    pltpu.sync_copy(idx_hbm.at[wid], idx_v)

    zv = jnp.zeros((16,), jnp.float32)

    def zero(j, carry):
        acc_v[j] = zv
        return carry

    lax.fori_loop(0, PT, zero, 0)
    descs = [pltpu.async_copy(table_hbm.at[idx_v.at[i, j]],
                              acc_v.at[pl.ds(j * GCH, GCH)], sem, add=True)
             for i in range(NCAM) for j in range(NG)]
    for d in descs:
        d.wait()

    pltpu.sync_copy(acc_v, acc_hbm.at[pl.ds(base, PT)])


def _paint_call(idx_rs, table2):
    mesh = plsc.VectorSubcoreMesh(core_axis_name="c", subcore_axis_name="s")
    return pl.kernel(
        _paint_body,
        out_type=jax.ShapeDtypeStruct((NPAD, CH), jnp.float32),
        mesh=mesh,
        compiler_params=pltpu.CompilerParams(use_tc_tiling_on_sc=False),
        scratch_types=[
            pltpu.VMEM((NCAM, NG, GCH), jnp.int32),
            pltpu.VMEM((PT, CH), jnp.float32),
            pltpu.SemaphoreType.DMA,
        ],
    )(idx_rs, table2)


BN = 4096


def _proj_block(h_ref, trs_ref, bd2_ref, bd3_ref, idx_ref, fk_ref):
    h = h_ref[...]
    dflt = jax.lax.Precision.DEFAULT
    cam = jax.lax.dot_general(trs_ref[...], h, (((1,), (0,)), ((), ())),
                              precision=dflt, preferred_element_type=jnp.float32)
    ii = jax.lax.broadcasted_iota(jnp.int32, (4 * NCAM, BN), 0)
    cam1 = jnp.where(ii % 4 == 3, 1.0, cam)
    dd = jax.lax.dot_general(bd2_ref[...], cam1, (((1,), (0,)), ((), ())),
                             precision=dflt, preferred_element_type=jnp.float32)
    pp = jax.lax.dot_general(bd3_ref[...], dd, (((1,), (0,)), ((), ())),
                             precision=dflt, preferred_element_type=jnp.float32)
    flats = []
    ms = []
    for i in range(NCAM):
        ppx = pp[4 * i] / pp[4 * i + 2]
        ppy = pp[4 * i + 1] / pp[4 * i + 2]
        cz = cam[4 * i + 2]
        m = ((ppx > 0.0) & (ppx < float(W)) & (ppy > 0.0) & (ppy < float(H))
             & (cz > 0.0))
        pxi = jnp.floor(jnp.where(m, ppx, 0.0)).astype(jnp.int32)
        pyi = jnp.floor(jnp.where(m, ppy, 0.0)).astype(jnp.int32)
        flat = jnp.where(m, pyi * W + pxi + i * HWSZ, 0)
        flats.append(flat)
        ms.append(jnp.where(m, 1.0, 0.0))
    m0, m1, m2, m3, m4 = ms
    f = ((1.0 - 0.5 * m0 * m1) * (1.0 - 0.5 * m0 * m2)
         * (1.0 - 0.5 * m1 * m3) * (1.0 - 0.5 * m2 * m4))
    cnt = 5.0 - (m0 + m1 + m2 + m3 + m4)
    idx_ref[...] = jnp.stack(flats, axis=0)
    fk_ref[...] = jnp.stack([f, cnt], axis=0)


def _project(homoT, trs, bd2, bd3):
    return pl.pallas_call(
        _proj_block,
        grid=(NPAD // BN,),
        in_specs=[
            pl.BlockSpec((4, BN), lambda r: (0, r)),
            pl.BlockSpec((4 * NCAM, 4), lambda r: (0, 0)),
            pl.BlockSpec((4 * NCAM, 4 * NCAM), lambda r: (0, 0)),
            pl.BlockSpec((4 * NCAM, 4 * NCAM), lambda r: (0, 0)),
        ],
        out_specs=[
            pl.BlockSpec((NCAM, BN), lambda r: (0, r)),
            pl.BlockSpec((2, BN), lambda r: (0, r)),
        ],
        out_shape=[jax.ShapeDtypeStruct((NCAM, NPAD), jnp.int32),
                   jax.ShapeDtypeStruct((2, NPAD), jnp.float32)],
    )(homoT, trs, bd2, bd3)


def _finish_block(a_ref, f_ref, k_ref, t0_ref, o_ref):
    a = a_ref[...]
    f = f_ref[...]
    k = k_ref[...]
    t0 = t0_ref[...]
    fe = jnp.reshape(jnp.broadcast_to(f[:, :, None], (FR, PPR, CH)), (FR, 128))
    ke = jnp.reshape(jnp.broadcast_to(k[:, :, None], (FR, PPR, CH)), (FR, 128))
    o_ref[...] = (a - ke * t0) * fe


def _finish(acc, f, k, t0t):
    rows = NPAD * CH // 128
    return pl.pallas_call(
        _finish_block,
        grid=(rows // FR,),
        in_specs=[
            pl.BlockSpec((FR, 128), lambda r: (r, 0)),
            pl.BlockSpec((FR, PPR), lambda r: (r, 0)),
            pl.BlockSpec((FR, PPR), lambda r: (r, 0)),
            pl.BlockSpec((1, 128), lambda r: (0, 0)),
        ],
        out_specs=pl.BlockSpec((FR, 128), lambda r: (r, 0)),
        out_shape=jax.ShapeDtypeStruct((rows, 128), jnp.float32),
    )(acc.reshape(rows, 128), f.reshape(rows, PPR), k.reshape(rows, PPR), t0t)


def kernel(segmentation_results, lidar_raw, proj_mtx):
    planar = _scores(segmentation_results)
    table2 = planar.reshape(CH, NCAM * HWSZ).T

    tr = proj_mtx[:5]
    P = proj_mtx[5:10]
    R0 = proj_mtx[10]
    trs = tr.reshape(4 * NCAM, 4)
    eye5 = jnp.eye(NCAM, dtype=jnp.float32)
    bd2 = jnp.kron(eye5, R0)
    zr = jnp.concatenate(
        [P[:, :3, :], jnp.zeros((NCAM, 1, 4), jnp.float32)], axis=1)
    bd3 = jax.scipy.linalg.block_diag(*[zr[i] for i in range(NCAM)])

    ones = jnp.ones((NPTS, 1), lidar_raw.dtype)
    homo = jnp.concatenate([lidar_raw[:, :3], ones], axis=1)
    homoT = jnp.pad(homo.T, ((0, 0), (0, NPAD - NPTS)))

    idx5, fk = _project(homoT, trs, bd2, bd3)
    idx_rs = idx5.reshape(NCAM, NTILES, NG, GCH).transpose(1, 0, 2, 3)

    acc = _paint_call(idx_rs, table2)
    t0t = jnp.tile(table2[0], 128 // CH)[None, :]
    aug = _finish(acc, fk[0], fk[1], t0t).reshape(NPAD, CH)
    return jnp.concatenate([lidar_raw[:, :5], aug[:NPTS, :6]], axis=1)

# --- scband reference (transcript-rebuilt; emitter-appended) ---
"""Pipeline reference for scband-point-painter-52982716564283 (READ-ONLY COPY).

The authoritative reference and input builder live on the scoring server;
editing this copy changes nothing except your own understanding.
"""

import jax, jax.numpy as jnp
import numpy as np


def get_score(x):
    p = jax.nn.softmax(jnp.transpose(x, (0, 2, 3, 1)), axis=-1)
    out = jnp.stack([
        jnp.sum(p[..., :11], axis=-1),
        p[..., 18],
        p[..., 13] + p[..., 14] + p[..., 15] + p[..., 16],
        p[..., 11],
        p[..., 12],
        p[..., 17]], axis=-1)
    return out


def _paint(segmentation_results, lidar_raw, proj_mtx):
    class_scores = get_score(segmentation_results)  # [5, H, W, 6]
    N = lidar_raw.shape[0]
    H, W = class_scores.shape[1], class_scores.shape[2]
    ones = jnp.ones((N, 1), lidar_raw.dtype)
    homo = jnp.concatenate([lidar_raw[:, :3], ones], axis=1)  # [N,4] (x,y,z,1)
    R0 = proj_mtx[10]
    scores_list = []
    masks = []
    for i in range(5):
        tr = proj_mtx[i]
        cam = (tr @ homo.T).T
        cam = jnp.concatenate([cam[:, :3], ones], axis=1)  # last col forced to 1
        P = proj_mtx[5 + i]
        pp = (P @ (R0 @ cam.T)).T
        pp = pp / pp[:, 2:3]
        # projected pixel coords are floored to ints in the original (non-differentiable)
        pp = jax.lax.stop_gradient(pp)
        mx = (pp[:, 0] > 0) & (pp[:, 0] < W)
        my = (pp[:, 1] > 0) & (pp[:, 1] < H)
        mask = mx & my & (cam[:, 2] > 0)
        px = jnp.floor(jnp.where(mask, pp[:, 0], 0.0)).astype(jnp.int32)
        py = jnp.floor(jnp.where(mask, pp[:, 1], 0.0)).astype(jnp.int32)
        sc = class_scores[i][py, px] * mask[:, None].astype(class_scores.dtype)
        scores_list.append(sc)
        masks.append(mask)
    aug = scores_list[0] + scores_list[1] + scores_list[2] + scores_list[3] + scores_list[4]
    for a, b in [(0, 1), (0, 2), (1, 3), (2, 4)]:
        both = masks[a] & masks[b]
        aug = jnp.where(both[:, None], 0.5 * aug, aug)
    augmented_lidar = jnp.concatenate([lidar_raw[:, :5], aug], axis=1)
    return augmented_lidar


def setup_inputs(seed: int = 0):
    key = jax.random.key(seed)
    k1, k2, k3 = jax.random.split(key, 3)
    segmentation_results = jax.random.normal(k1, (5, 19, 384, 1280), dtype=jnp.float32)
    lidar_raw = jax.random.normal(k2, (120000, 5), dtype=jnp.float32)
    proj_mtx = jax.random.normal(k3, (11, 4, 4), dtype=jnp.float32)
    return {"segmentation_results": segmentation_results, "lidar_raw": lidar_raw, "proj_mtx": proj_mtx}


def reference(segmentation_results, lidar_raw, proj_mtx):
    return _paint(segmentation_results, lidar_raw, proj_mtx)

if __name__ == "__main__":
    import jax
    _d = setup_inputs()
    print(jax.jit(kernel)(*tuple(_d.values())))

</pallas_src>

<mosaic_0001>
#map = affine_map<(d0, d1) -> (0, 0, 0, 0)>
#map1 = affine_map<(d0, d1) -> (0, 0)>
module attributes {stable_mosaic.version = 14 : i64} {
  func.func @_paint_body(%arg0: i32, %arg1: i32, %arg2: memref<32x5x1x3840xi32, #tpu.memory_space<hbm>>, %arg3: memref<2457600x16xf32, #tpu.memory_space<hbm>>, %arg4: memref<122880x16xf32, #tpu.memory_space<hbm>>, %arg5: memref<5x1x3840xi32, #tpu.memory_space<vmem>>, %arg6: memref<3840x16xf32, #tpu.memory_space<vmem>>, %arg7: memref<!tpu.dma_semaphore, #tpu.memory_space<semaphore_mem>>) attributes {dimension_semantics = [#tpu.dimension_semantics<core_parallel>, #tpu.dimension_semantics<subcore_parallel>], iteration_bounds = array<i64: 2, 16>, scalar_prefetch = 0 : i64, scratch_operands = 3 : i64, tpu.core_type = #tpu.core_type<sc_vector_subcore>, window_params = [{transform_indices = #map}, {transform_indices = #map1}, {transform_indices = #map1}]} {
    %mul3A = arith.constant 2 : i32
    %mul3A_0 = arith.muli %arg1, %mul3A : i32
    %add3A = arith.addi %mul3A_0, %arg0 : i32
    %mul3A_1 = arith.constant 3840 : i32
    %mul3A_2 = arith.muli %add3A, %mul3A_1 : i32
    "tpu.region"() ({
      %run_scoped3A = tpu.sem_alloc : memref<!tpu.dma_semaphore, #tpu.memory_space<semaphore_mem>>
      %dma_start3A_117 = arith.constant 0 : i32
      %dma_start3A_118 = arith.constant 0 : i32
      %dma_start3A_119 = arith.constant 0 : i32
      %dma_start3A_120 = tpu.memref_slice %arg2[%add3A, %dma_start3A_117, %dma_start3A_118, %dma_start3A_119] : memref<32x5x1x3840xi32, #tpu.memory_space<hbm>> -> memref<1x5x1x3840xi32, #tpu.memory_space<hbm>>
      %dma_start3A_121 = tpu.memref_squeeze %dma_start3A_120 : memref<1x5x1x3840xi32, #tpu.memory_space<hbm>> -> memref<5x1x3840xi32, #tpu.memory_space<hbm>>
      %dma_start3A_122 = arith.constant 0 : i32
      %dma_start3A_123 = arith.constant 0 : i32
      %dma_start3A_124 = arith.constant 0 : i32
      %dma_start3A_125 = tpu.memref_slice %arg2[%add3A, %dma_start3A_122, %dma_start3A_123, %dma_start3A_124] : memref<32x5x1x3840xi32, #tpu.memory_space<hbm>> -> memref<1x5x1x3840xi32, #tpu.memory_space<hbm>>
      %dma_start3A_126 = tpu.memref_squeeze %dma_start3A_125 : memref<1x5x1x3840xi32, #tpu.memory_space<hbm>> -> memref<5x1x3840xi32, #tpu.memory_space<hbm>>
      tpu.enqueue_dma source(%dma_start3A_126 : memref<5x1x3840xi32, #tpu.memory_space<hbm>>) target(%arg5 : memref<5x1x3840xi32, #tpu.memory_space<vmem>>) target_semaphore(%run_scoped3A : memref<!tpu.dma_semaphore, #tpu.memory_space<semaphore_mem>>)
      %dma_wait3A_127 = arith.constant 0 : i32
      %dma_wait3A_128 = arith.constant 0 : i32
      %dma_wait3A_129 = arith.constant 0 : i32
      %dma_wait3A_130 = tpu.memref_slice %arg2[%add3A, %dma_wait3A_127, %dma_wait3A_128, %dma_wait3A_129] : memref<32x5x1x3840xi32, #tpu.memory_space<hbm>> -> memref<1x5x1x3840xi32, #tpu.memory_space<hbm>>
      %dma_wait3A_131 = tpu.memref_squeeze %dma_wait3A_130 : memref<1x5x1x3840xi32, #tpu.memory_space<hbm>> -> memref<5x1x3840xi32, #tpu.memory_space<hbm>>
      %dma_wait3A_132 = arith.constant 0 : i32
      %dma_wait3A_133 = arith.constant 0 : i32
      %dma_wait3A_134 = arith.constant 0 : i32
      %dma_wait3A_135 = tpu.memref_slice %arg2[%add3A, %dma_wait3A_132, %dma_wait3A_133, %dma_wait3A_134] : memref<32x5x1x3840xi32, #tpu.memory_space<hbm>> -> memref<1x5x1x3840xi32, #tpu.memory_space<hbm>>
      %dma_wait3A_136 = tpu.memref_squeeze %dma_wait3A_135 : memref<1x5x1x3840xi32, #tpu.memory_space<hbm>> -> memref<5x1x3840xi32, #tpu.memory_space<hbm>>
      tpu.wait_dma2 semaphore(%run_scoped3A : memref<!tpu.dma_semaphore, #tpu.memory_space<semaphore_mem>>) src(%dma_wait3A_136 : memref<5x1x3840xi32, #tpu.memory_space<hbm>>) dst(%arg5 : memref<5x1x3840xi32, #tpu.memory_space<vmem>>)
      tpu.yield
    }) : () -> ()
    %broadcast_in_dim3A = arith.constant 0.000000e+00 : f32
    %broadcast_in_dim3A_3 = vector.broadcast %broadcast_in_dim3A : f32 to vector<16xf32>
    %scan3A = arith.constant 0 : i32
    %scan3A_4 = arith.constant 0 : i32
    %scan3A_5 = arith.constant 3840 : i32
    %scan3A_6 = arith.addi %scan3A_4, %scan3A_5 : i32
    %scan3A_7 = arith.constant 1 : i32
    scf.for %scan3A_117 = %scan3A_4 to %scan3A_6 step %scan3A_7  : i32 {
      %swap3A = arith.index_cast %scan3A_117 : i32 to index
      %swap3A_118 = arith.constant 0 : index
      %swap3A_119 = tpu.vector_load %arg6[%swap3A, %swap3A_118] {strides = array<i32>} : memref<3840x16xf32, #tpu.memory_space<vmem>>, vector<1x16xf32>,
      %swap3A_120 = vector.shape_cast %swap3A_119 : vector<1x16xf32> to vector<16xf32>
      %swap3A_121 = vector.shape_cast %broadcast_in_dim3A_3 : vector<16xf32> to vector<1x16xf32>
      tpu.vector_store %arg6[%swap3A, %swap3A_118], %swap3A_121 {strides = array<i32>} : memref<3840x16xf32, #tpu.memory_space<vmem>>, vector<1x16xf32>,
    }
    %scan3A_8 = arith.constant 3840 : i32
    %dma_start3A = arith.constant 0 : i32
    %dma_start3A_9 = arith.constant 0 : i32
    %dma_start3A_10 = arith.constant 0 : i32
    %dma_start3A_11 = arith.constant 0 : i32
    %dma_start3A_12 = tpu.memref_slice %arg6[%dma_start3A_10, %dma_start3A_11] : memref<3840x16xf32, #tpu.memory_space<vmem>> -> memref<3840x16xf32, #tpu.memory_space<vmem>>
    %dma_start3A_13 = arith.constant 0 : i32
    %dma_start3A_14 = tpu.memref_slice %arg5[%dma_start3A, %dma_start3A_9, %dma_start3A_13] : memref<5x1x3840xi32, #tpu.memory_space<vmem>> -> memref<1x1x3840xi32, #tpu.memory_space<vmem>>
    %dma_start3A_15 = tpu.memref_squeeze %dma_start3A_14 : memref<1x1x3840xi32, #tpu.memory_space<vmem>> -> memref<3840xi32, #tpu.memory_space<vmem>>
    %dma_start3A_16 = arith.constant 0 : i32
    %dma_start3A_17 = arith.constant 0 : i32
    %dma_start3A_18 = tpu.memref_slice %arg3[%dma_start3A_16, %dma_start3A_17] : memref<2457600x16xf32, #tpu.memory_space<hbm>> -> memref<2457600x16xf32, #tpu.memory_space<hbm>>
    tpu.enqueue_indirect_dma source(%dma_start3A_18 : memref<2457600x16xf32, #tpu.memory_space<hbm>>) target(%dma_start3A_12 : memref<3840x16xf32, #tpu.memory_space<vmem>>) offsets(%dma_start3A_15 : memref<3840xi32, #tpu.memory_space<vmem>>) semaphore(%arg7 : memref<!tpu.dma_semaphore, #tpu.memory_space<semaphore_mem>>) {add = true}
    %dma_start3A_19 = arith.constant 1 : i32
    %dma_start3A_20 = arith.constant 0 : i32
    %dma_start3A_21 = arith.constant 0 : i32
    %dma_start3A_22 = arith.constant 0 : i32
    %dma_start3A_23 = tpu.memref_slice %arg6[%dma_start3A_21, %dma_start3A_22] : memref<3840x16xf32, #tpu.memory_space<vmem>> -> memref<3840x16xf32, #tpu.memory_space<vmem>>
    %dma_start3A_24 = arith.constant 0 : i32
    %dma_start3A_25 = tpu.memref_slice %arg5[%dma_start3A_19, %dma_start3A_20, %dma_start3A_24] : memref<5x1x3840xi32, #tpu.memory_space<vmem>> -> memref<1x1x3840xi32, #tpu.memory_space<vmem>>
    %dma_start3A_26 = tpu.memref_squeeze %dma_start3A_25 : memref<1x1x3840xi32, #tpu.memory_space<vmem>> -> memref<3840xi32, #tpu.memory_space<vmem>>
    %dma_start3A_27 = arith.constant 0 : i32
    %dma_start3A_28 = arith.constant 0 : i32
    %dma_start3A_29 = tpu.memref_slice %arg3[%dma_start3A_27, %dma_start3A_28] : memref<2457600x16xf32, #tpu.memory_space<hbm>> -> memref<2457600x16xf32, #tpu.memory_space<hbm>>
    tpu.enqueue_indirect_dma source(%dma_start3A_29 : memref<2457600x16xf32, #tpu.memory_space<hbm>>) target(%dma_start3A_23 : memref<3840x16xf32, #tpu.memory_space<vmem>>) offsets(%dma_start3A_26 : memref<3840xi32, #tpu.memory_space<vmem>>) semaphore(%arg7 : memref<!tpu.dma_semaphore, #tpu.memory_space<semaphore_mem>>) {add = true}
    %dma_start3A_30 = arith.constant 2 : i32
    %dma_start3A_31 = arith.constant 0 : i32
    %dma_start3A_32 = arith.constant 0 : i32
    %dma_start3A_33 = arith.constant 0 : i32
    %dma_start3A_34 = tpu.memref_slice %arg6[%dma_start3A_32, %dma_start3A_33] : memref<3840x16xf32, #tpu.memory_space<vmem>> -> memref<3840x16xf32, #tpu.memory_space<vmem>>
    %dma_start3A_35 = arith.constant 0 : i32
    %dma_start3A_36 = tpu.memref_slice %arg5[%dma_start3A_30, %dma_start3A_31, %dma_start3A_35] : memref<5x1x3840xi32, #tpu.memory_space<vmem>> -> memref<1x1x3840xi32, #tpu.memory_space<vmem>>
    %dma_start3A_37 = tpu.memref_squeeze %dma_start3A_36 : memref<1x1x3840xi32, #tpu.memory_space<vmem>> -> memref<3840xi32, #tpu.memory_space<vmem>>
    %dma_start3A_38 = arith.constant 0 : i32
    %dma_start3A_39 = arith.constant 0 : i32
    %dma_start3A_40 = tpu.memref_slice %arg3[%dma_start3A_38, %dma_start3A_39] : memref<2457600x16xf32, #tpu.memory_space<hbm>> -> memref<2457600x16xf32, #tpu.memory_space<hbm>>
    tpu.enqueue_indirect_dma source(%dma_start3A_40 : memref<2457600x16xf32, #tpu.memory_space<hbm>>) target(%dma_start3A_34 : memref<3840x16xf32, #tpu.memory_space<vmem>>) offsets(%dma_start3A_37 : memref<3840xi32, #tpu.memory_space<vmem>>) semaphore(%arg7 : memref<!tpu.dma_semaphore, #tpu.memory_space<semaphore_mem>>) {add = true}
    %dma_start3A_41 = arith.constant 3 : i32
    %dma_start3A_42 = arith.constant 0 : i32
    %dma_start3A_43 = arith.constant 0 : i32
    %dma_start3A_44 = arith.constant 0 : i32
    %dma_start3A_45 = tpu.memref_slice %arg6[%dma_start3A_43, %dma_start3A_44] : memref<3840x16xf32, #tpu.memory_space<vmem>> -> memref<3840x16xf32, #tpu.memory_space<vmem>>
    %dma_start3A_46 = arith.constant 0 : i32
    %dma_start3A_47 = tpu.memref_slice %arg5[%dma_start3A_41, %dma_start3A_42, %dma_start3A_46] : memref<5x1x3840xi32, #tpu.memory_space<vmem>> -> memref<1x1x3840xi32, #tpu.memory_space<vmem>>
    %dma_start3A_48 = tpu.memref_squeeze %dma_start3A_47 : memref<1x1x3840xi32, #tpu.memory_space<vmem>> -> memref<3840xi32, #tpu.memory_space<vmem>>
    %dma_start3A_49 = arith.constant 0 : i32
    %dma_start3A_50 = arith.constant 0 : i32
    %dma_start3A_51 = tpu.memref_slice %arg3[%dma_start3A_49, %dma_start3A_50] : memref<2457600x16xf32, #tpu.memory_space<hbm>> -> memref<2457600x16xf32, #tpu.memory_space<hbm>>
    tpu.enqueue_indirect_dma source(%dma_start3A_51 : memref<2457600x16xf32, #tpu.memory_space<hbm>>) target(%dma_start3A_45 : memref<3840x16xf32, #tpu.memory_space<vmem>>) offsets(%dma_start3A_48 : memref<3840xi32, #tpu.memory_space<vmem>>) semaphore(%arg7 : memref<!tpu.dma_semaphore, #tpu.memory_space<semaphore_mem>>) {add = true}
    %dma_start3A_52 = arith.constant 4 : i32
    %dma_start3A_53 = arith.constant 0 : i32
    %dma_start3A_54 = arith.constant 0 : i32
    %dma_start3A_55 = arith.constant 0 : i32
    %dma_start3A_56 = tpu.memref_slice %arg6[%dma_start3A_54, %dma_start3A_55] : memref<3840x16xf32, #tpu.memory_space<vmem>> -> memref<3840x16xf32, #tpu.memory_space<vmem>>
    %dma_start3A_57 = arith.constant 0 : i32
    %dma_start3A_58 = tpu.memref_slice %arg5[%dma_start3A_52, %dma_start3A_53, %dma_start3A_57] : memref<5x1x3840xi32, #tpu.memory_space<vmem>> -> memref<1x1x3840xi32, #tpu.memory_space<vmem>>
    %dma_start3A_59 = tpu.memref_squeeze %dma_start3A_58 : memref<1x1x3840xi32, #tpu.memory_space<vmem>> -> memref<3840xi32, #tpu.memory_space<vmem>>
    %dma_start3A_60 = arith.constant 0 : i32
    %dma_start3A_61 = arith.constant 0 : i32
    %dma_start3A_62 = tpu.memref_slice %arg3[%dma_start3A_60, %dma_start3A_61] : memref<2457600x16xf32, #tpu.memory_space<hbm>> -> memref<2457600x16xf32, #tpu.memory_space<hbm>>
    tpu.enqueue_indirect_dma source(%dma_start3A_62 : memref<2457600x16xf32, #tpu.memory_space<hbm>>) target(%dma_start3A_56 : memref<3840x16xf32, #tpu.memory_space<vmem>>) offsets(%dma_start3A_59 : memref<3840xi32, #tpu.memory_space<vmem>>) semaphore(%arg7 : memref<!tpu.dma_semaphore, #tpu.memory_space<semaphore_mem>>) {add = true}
    %dma_wait3A = arith.constant 0 : i32
    %dma_wait3A_63 = arith.constant 0 : i32
    %dma_wait3A_64 = arith.constant 0 : i32
    %dma_wait3A_65 = arith.constant 0 : i32
    %dma_wait3A_66 = tpu.memref_slice %arg6[%dma_wait3A_64, %dma_wait3A_65] : memref<3840x16xf32, #tpu.memory_space<vmem>> -> memref<3840x16xf32, #tpu.memory_space<vmem>>
    %dma_wait3A_67 = arith.constant 0 : i32
    %dma_wait3A_68 = tpu.memref_slice %arg5[%dma_wait3A, %dma_wait3A_63, %dma_wait3A_67] : memref<5x1x3840xi32, #tpu.memory_space<vmem>> -> memref<1x1x3840xi32, #tpu.memory_space<vmem>>
    %dma_wait3A_69 = tpu.memref_squeeze %dma_wait3A_68 : memref<1x1x3840xi32, #tpu.memory_space<vmem>> -> memref<3840xi32, #tpu.memory_space<vmem>>
    %dma_wait3A_70 = arith.constant 0 : i32
    %dma_wait3A_71 = arith.constant 0 : i32
    %dma_wait3A_72 = tpu.memref_slice %arg3[%dma_wait3A_70, %dma_wait3A_71] : memref<2457600x16xf32, #tpu.memory_space<hbm>> -> memref<2457600x16xf32, #tpu.memory_space<hbm>>
    tpu.wait_indirect_dma semaphore(%arg7 : memref<!tpu.dma_semaphore, #tpu.memory_space<semaphore_mem>>) src(%dma_wait3A_72 : memref<2457600x16xf32, #tpu.memory_space<hbm>>) dst(%dma_wait3A_66 : memref<3840x16xf32, #tpu.memory_space<vmem>>)
    %dma_wait3A_73 = arith.constant 1 : i32
    %dma_wait3A_74 = arith.constant 0 : i32
    %dma_wait3A_75 = arith.constant 0 : i32
    %dma_wait3A_76 = arith.constant 0 : i32
    %dma_wait3A_77 = tpu.memref_slice %arg6[%dma_wait3A_75, %dma_wait3A_76] : memref<3840x16xf32, #tpu.memory_space<vmem>> -> memref<3840x16xf32, #tpu.memory_space<vmem>>
    %dma_wait3A_78 = arith.constant 0 : i32
    %dma_wait3A_79 = tpu.memref_slice %arg5[%dma_wait3A_73, %dma_wait3A_74, %dma_wait3A_78] : memref<5x1x3840xi32, #tpu.memory_space<vmem>> -> memref<1x1x3840xi32, #tpu.memory_space<vmem>>
    %dma_wait3A_80 = tpu.memref_squeeze %dma_wait3A_79 : memref<1x1x3840xi32, #tpu.memory_space<vmem>> -> memref<3840xi32, #tpu.memory_space<vmem>>
    %dma_wait3A_81 = arith.constant 0 : i32
    %dma_wait3A_82 = arith.constant 0 : i32
    %dma_wait3A_83 = tpu.memref_slice %arg3[%dma_wait3A_81, %dma_wait3A_82] : memref<2457600x16xf32, #tpu.memory_space<hbm>> -> memref<2457600x16xf32, #tpu.memory_space<hbm>>
    tpu.wait_indirect_dma semaphore(%arg7 : memref<!tpu.dma_semaphore, #tpu.memory_space<semaphore_mem>>) src(%dma_wait3A_83 : memref<2457600x16xf32, #tpu.memory_space<hbm>>) dst(%dma_wait3A_77 : memref<3840x16xf32, #tpu.memory_space<vmem>>)
    %dma_wait3A_84 = arith.constant 2 : i32
    %dma_wait3A_85 = arith.constant 0 : i32
    %dma_wait3A_86 = arith.constant 0 : i32
    %dma_wait3A_87 = arith.constant 0 : i32
    %dma_wait3A_88 = tpu.memref_slice %arg6[%dma_wait3A_86, %dma_wait3A_87] : memref<3840x16xf32, #tpu.memory_space<vmem>> -> memref<3840x16xf32, #tpu.memory_space<vmem>>
    %dma_wait3A_89 = arith.constant 0 : i32
    %dma_wait3A_90 = tpu.memref_slice %arg5[%dma_wait3A_84, %dma_wait3A_85, %dma_wait3A_89] : memref<5x1x3840xi32, #tpu.memory_space<vmem>> -> memref<1x1x3840xi32, #tpu.memory_space<vmem>>
    %dma_wait3A_91 = tpu.memref_squeeze %dma_wait3A_90 : memref<1x1x3840xi32, #tpu.memory_space<vmem>> -> memref<3840xi32, #tpu.memory_space<vmem>>
    %dma_wait3A_92 = arith.constant 0 : i32
    %dma_wait3A_93 = arith.constant 0 : i32
    %dma_wait3A_94 = tpu.memref_slice %arg3[%dma_wait3A_92, %dma_wait3A_93] : memref<2457600x16xf32, #tpu.memory_space<hbm>> -> memref<2457600x16xf32, #tpu.memory_space<hbm>>
    tpu.wait_indirect_dma semaphore(%arg7 : memref<!tpu.dma_semaphore, #tpu.memory_space<semaphore_mem>>) src(%dma_wait3A_94 : memref<2457600x16xf32, #tpu.memory_space<hbm>>) dst(%dma_wait3A_88 : memref<3840x16xf32, #tpu.memory_space<vmem>>)
    %dma_wait3A_95 = arith.constant 3 : i32
    %dma_wait3A_96 = arith.constant 0 : i32
    %dma_wait3A_97 = arith.constant 0 : i32
    %dma_wait3A_98 = arith.constant 0 : i32
    %dma_wait3A_99 = tpu.memref_slice %arg6[%dma_wait3A_97, %dma_wait3A_98] : memref<3840x16xf32, #tpu.memory_space<vmem>> -> memref<3840x16xf32, #tpu.memory_space<vmem>>
    %dma_wait3A_100 = arith.constant 0 : i32
    %dma_wait3A_101 = tpu.memref_slice %arg5[%dma_wait3A_95, %dma_wait3A_96, %dma_wait3A_100] : memref<5x1x3840xi32, #tpu.memory_space<vmem>> -> memref<1x1x3840xi32, #tpu.memory_space<vmem>>
    %dma_wait3A_102 = tpu.memref_squeeze %dma_wait3A_101 : memref<1x1x3840xi32, #tpu.memory_space<vmem>> -> memref<3840xi32, #tpu.memory_space<vmem>>
    %dma_wait3A_103 = arith.constant 0 : i32
    %dma_wait3A_104 = arith.constant 0 : i32
    %dma_wait3A_105 = tpu.memref_slice %arg3[%dma_wait3A_103, %dma_wait3A_104] : memref<2457600x16xf32, #tpu.memory_space<hbm>> -> memref<2457600x16xf32, #tpu.memory_space<hbm>>
    tpu.wait_indirect_dma semaphore(%arg7 : memref<!tpu.dma_semaphore, #tpu.memory_space<semaphore_mem>>) src(%dma_wait3A_105 : memref<2457600x16xf32, #tpu.memory_space<hbm>>) dst(%dma_wait3A_99 : memref<3840x16xf32, #tpu.memory_space<vmem>>)
    %dma_wait3A_106 = arith.constant 4 : i32
    %dma_wait3A_107 = arith.constant 0 : i32
    %dma_wait3A_108 = arith.constant 0 : i32
    %dma_wait3A_109 = arith.constant 0 : i32
    %dma_wait3A_110 = tpu.memref_slice %arg6[%dma_wait3A_108, %dma_wait3A_109] : memref<3840x16xf32, #tpu.memory_space<vmem>> -> memref<3840x16xf32, #tpu.memory_space<vmem>>
    %dma_wait3A_111 = arith.constant 0 : i32
    %dma_wait3A_112 = tpu.memref_slice %arg5[%dma_wait3A_106, %dma_wait3A_107, %dma_wait3A_111] : memref<5x1x3840xi32, #tpu.memory_space<vmem>> -> memref<1x1x3840xi32, #tpu.memory_space<vmem>>
    %dma_wait3A_113 = tpu.memref_squeeze %dma_wait3A_112 : memref<1x1x3840xi32, #tpu.memory_space<vmem>> -> memref<3840xi32, #tpu.memory_space<vmem>>
    %dma_wait3A_114 = arith.constant 0 : i32
    %dma_wait3A_115 = arith.constant 0 : i32
    %dma_wait3A_116 = tpu.memref_slice %arg3[%dma_wait3A_114, %dma_wait3A_115] : memref<2457600x16xf32, #tpu.memory_space<hbm>> -> memref<2457600x16xf32, #tpu.memory_space<hbm>>
    tpu.wait_indirect_dma semaphore(%arg7 : memref<!tpu.dma_semaphore, #tpu.memory_space<semaphore_mem>>) src(%dma_wait3A_116 : memref<2457600x16xf32, #tpu.memory_space<hbm>>) dst(%dma_wait3A_110 : memref<3840x16xf32, #tpu.memory_space<vmem>>)
    "tpu.region"() ({
      %run_scoped3A = tpu.sem_alloc : memref<!tpu.dma_semaphore, #tpu.memory_space<semaphore_mem>>
      %dma_start3A_117 = arith.constant 0 : i32
      %dma_start3A_118 = tpu.memref_slice %arg4[%mul3A_2, %dma_start3A_117] : memref<122880x16xf32, #tpu.memory_space<hbm>> -> memref<3840x16xf32, #tpu.memory_space<hbm>>
      %dma_start3A_119 = arith.constant 0 : i32
      %dma_start3A_120 = tpu.memref_slice %arg4[%mul3A_2, %dma_start3A_119] : memref<122880x16xf32, #tpu.memory_space<hbm>> -> memref<3840x16xf32, #tpu.memory_space<hbm>>
      tpu.enqueue_dma source(%arg6 : memref<3840x16xf32, #tpu.memory_space<vmem>>) target(%dma_start3A_120 : memref<3840x16xf32, #tpu.memory_space<hbm>>) target_semaphore(%run_scoped3A : memref<!tpu.dma_semaphore, #tpu.memory_space<semaphore_mem>>)
      %dma_wait3A_121 = arith.constant 0 : i32
      %dma_wait3A_122 = tpu.memref_slice %arg4[%mul3A_2, %dma_wait3A_121] : memref<122880x16xf32, #tpu.memory_space<hbm>> -> memref<3840x16xf32, #tpu.memory_space<hbm>>
      %dma_wait3A_123 = arith.constant 0 : i32
      %dma_wait3A_124 = tpu.memref_slice %arg4[%mul3A_2, %dma_wait3A_123] : memref<122880x16xf32, #tpu.memory_space<hbm>> -> memref<3840x16xf32, #tpu.memory_space<hbm>>
      tpu.wait_dma2 semaphore(%run_scoped3A : memref<!tpu.dma_semaphore, #tpu.memory_space<semaphore_mem>>) src(%arg6 : memref<3840x16xf32, #tpu.memory_space<vmem>>) dst(%dma_wait3A_124 : memref<3840x16xf32, #tpu.memory_space<hbm>>)
      tpu.yield
    }) : () -> ()
    return
  }
}

module attributes {stable_mosaic.version = 14 : i64} {
  func.func @_proj_block(%arg0: i32, %arg1: memref<4x4096xf32, #tpu.memory_space<vmem>>, %arg2: memref<20x4xf32, #tpu.memory_space<vmem>>, %arg3: memref<20x20xf32, #tpu.memory_space<vmem>>, %arg4: memref<20x20xf32, #tpu.memory_space<vmem>>, %arg5: memref<5x4096xi32, #tpu.memory_space<vmem>>, %arg6: memref<2x4096xf32, #tpu.memory_space<vmem>>) attributes {dimension_semantics = [#tpu.dimension_semantics<arbitrary>], iteration_bounds = array<i64: 30>, scalar_prefetch = 0 : i64, scratch_operands = 0 : i64, tpu.core_type = #tpu.core_type<tc>, window_params = [{transform_indices = @transform_0, window_bounds = array<i64: 4, 4096>}, {pipeline_mode = #tpu.pipeline_mode<synchronous>, transform_indices = @transform_1, window_bounds = array<i64: 20, 4>}, {pipeline_mode = #tpu.pipeline_mode<synchronous>, transform_indices = @transform_2, window_bounds = array<i64: 20, 20>}, {pipeline_mode = #tpu.pipeline_mode<synchronous>, transform_indices = @transform_3, window_bounds = array<i64: 20, 20>}, {transform_indices = @transform_4, window_bounds = array<i64: 5, 4096>}, {transform_indices = @transform_5, window_bounds = array<i64: 2, 4096>}]} {
    %get3A = arith.constant 0 : index
    %get3A_0 = arith.constant 0 : index
    %get3A_1 = vector.load %arg1[%get3A, %get3A_0] : memref<4x4096xf32, #tpu.memory_space<vmem>>, vector<4x4096xf32>
    %get3A_2 = arith.constant 0 : index
    %get3A_3 = arith.constant 0 : index
    %get3A_4 = vector.load %arg2[%get3A_2, %get3A_3] : memref<20x4xf32, #tpu.memory_space<vmem>>, vector<20x4xf32>
    %dot_general3A = arith.constant dense<0.000000e+00> : vector<20x4096xf32>
    %dot_general3A_5 = tpu.matmul %get3A_4, %get3A_1, %dot_general3A {dimension_numbers = #tpu.dot_dimension_numbers<[1], [0], [0], [1], [0, 0, 1, 1], [], []>, transpose_lhs_hint = false} : vector<20x4xf32>, vector<4x4096xf32>, vector<20x4096xf32> -> vector<20x4096xf32>
    %iota3A = tpu.iota {dimensions = array<i32: 0>} : vector<20x4096xi32>
    %jit3A = arith.constant 4 : i32
    %eq3A = arith.constant 0 : i32
    %eq3A_6 = arith.cmpi eq, %jit3A, %eq3A : i32
    %jit3A_7 = arith.constant 1 : i32
    %select_n3A = arith.select %eq3A_6, %jit3A_7, %jit3A : i32
    %rem3A = vector.broadcast %select_n3A : i32 to vector<20x4096xi32>
    %rem3A_8 = arith.remsi %iota3A, %rem3A : vector<20x4096xi32>
    %ne3A = arith.constant 0 : i32
    %ne3A_9 = vector.broadcast %ne3A : i32 to vector<20x4096xi32>
    %ne3A_10 = arith.cmpi ne, %rem3A_8, %ne3A_9 : vector<20x4096xi32>
    %lt3A = arith.constant 0 : i32
    %lt3A_11 = vector.broadcast %lt3A : i32 to vector<20x4096xi32>
    %lt3A_12 = arith.cmpi slt, %rem3A_8, %lt3A_11 : vector<20x4096xi32>
    %lt3A_13 = arith.constant 0 : i32
    %lt3A_14 = arith.cmpi slt, %select_n3A, %lt3A_13 : i32
    %ne3A_15 = vector.broadcast %lt3A_14 : i1 to vector<20x4096xi1>
    %ne3A_16 = vector.broadcast %ne3A_15 : vector<20x4096xi1> to vector<20x4096xi1>
    %ne3A_17 = arith.xori %lt3A_12, %ne3A_16 : vector<20x4096xi1>
    %and3A = arith.andi %ne3A_17, %ne3A_10 : vector<20x4096xi1>
    %add3A = vector.broadcast %select_n3A : i32 to vector<20x4096xi32>
    %add3A_18 = arith.addi %rem3A_8, %add3A : vector<20x4096xi32>
    %select_n3A_19 = arith.select %and3A, %add3A_18, %rem3A_8 : vector<20x4096xi1>, vector<20x4096xi32>
    %eq3A_20 = arith.constant 3 : i32
    %eq3A_21 = vector.broadcast %eq3A_20 : i32 to vector<20x4096xi32>
    %eq3A_22 = arith.cmpi eq, %select_n3A_19, %eq3A_21 : vector<20x4096xi32>
    %jit3A_23 = arith.constant 1.000000e+00 : f32
    %broadcast_in_dim3A = vector.broadcast %jit3A_23 : f32 to vector<20x4096xf32>
    %select_n3A_24 = arith.select %eq3A_22, %broadcast_in_dim3A, %dot_general3A_5 : vector<20x4096xi1>, vector<20x4096xf32>
    %get3A_25 = arith.constant 0 : index
    %get3A_26 = arith.constant 0 : index
    %get3A_27 = vector.load %arg3[%get3A_25, %get3A_26] : memref<20x20xf32, #tpu.memory_space<vmem>>, vector<20x20xf32>
    %dot_general3A_28 = arith.constant dense<0.000000e+00> : vector<20x4096xf32>
    %dot_general3A_29 = tpu.matmul %get3A_27, %select_n3A_24, %dot_general3A_28 {dimension_numbers = #tpu.dot_dimension_numbers<[1], [0], [0], [1], [0, 0, 1, 1], [], []>, transpose_lhs_hint = false} : vector<20x20xf32>, vector<20x4096xf32>, vector<20x4096xf32> -> vector<20x4096xf32>
    %get3A_30 = arith.constant 0 : index
    %get3A_31 = arith.constant 0 : index
    %get3A_32 = vector.load %arg4[%get3A_30, %get3A_31] : memref<20x20xf32, #tpu.memory_space<vmem>>, vector<20x20xf32>
    %dot_general3A_33 = arith.constant dense<0.000000e+00> : vector<20x4096xf32>
    %dot_general3A_34 = tpu.matmul %get3A_32, %dot_general3A_29, %dot_general3A_33 {dimension_numbers = #tpu.dot_dimension_numbers<[1], [0], [0], [1], [0, 0, 1, 1], [], []>, transpose_lhs_hint = false} : vector<20x20xf32>, vector<20x4096xf32>, vector<20x4096xf32> -> vector<20x4096xf32>
    %slice3A = vector.extract_strided_slice %dot_general3A_34 {offsets = [0, 0], sizes = [1, 4096], strides = [1, 1]} : vector<20x4096xf32> to vector<1x4096xf32>
    %squeeze3A = vector.shape_cast %slice3A : vector<1x4096xf32> to vector<4096xf32>
    %slice3A_35 = vector.extract_strided_slice %dot_general3A_34 {offsets = [2, 0], sizes = [1, 4096], strides = [1, 1]} : vector<20x4096xf32> to vector<1x4096xf32>
    %squeeze3A_36 = vector.shape_cast %slice3A_35 : vector<1x4096xf32> to vector<4096xf32>
    %div3A = arith.divf %squeeze3A, %squeeze3A_36 : vector<4096xf32>
    %slice3A_37 = vector.extract_strided_slice %dot_general3A_34 {offsets = [1, 0], sizes = [1, 4096], strides = [1, 1]} : vector<20x4096xf32> to vector<1x4096xf32>
    %squeeze3A_38 = vector.shape_cast %slice3A_37 : vector<1x4096xf32> to vector<4096xf32>
    %slice3A_39 = vector.extract_strided_slice %dot_general3A_34 {offsets = [2, 0], sizes = [1, 4096], strides = [1, 1]} : vector<20x4096xf32> to vector<1x4096xf32>
    %squeeze3A_40 = vector.shape_cast %slice3A_39 : vector<1x4096xf32> to vector<4096xf32>
    %div3A_41 = arith.divf %squeeze3A_38, %squeeze3A_40 : vector<4096xf32>
    %slice3A_42 = vector.extract_strided_slice %dot_general3A_5 {offsets = [2, 0], sizes = [1, 4096], strides = [1, 1]} : vector<20x4096xf32> to vector<1x4096xf32>
    %squeeze3A_43 = vector.shape_cast %slice3A_42 : vector<1x4096xf32> to vector<4096xf32>
    %gt3A = arith.constant 0.000000e+00 : f32
    %gt3A_44 = vector.broadcast %gt3A : f32 to vector<4096xf32>
    %gt3A_45 = arith.cmpf ogt, %div3A, %gt3A_44 : vector<4096xf32>
    %lt3A_46 = arith.constant 1.280000e+03 : f32
    %lt3A_47 = vector.broadcast %lt3A_46 : f32 to vector<4096xf32>
    %lt3A_48 = arith.cmpf olt, %div3A, %lt3A_47 : vector<4096xf32>
    %and3A_49 = arith.andi %gt3A_45, %lt3A_48 : vector<4096xi1>
    %gt3A_50 = arith.constant 0.000000e+00 : f32
    %gt3A_51 = vector.broadcast %gt3A_50 : f32 to vector<4096xf32>
    %gt3A_52 = arith.cmpf ogt, %div3A_41, %gt3A_51 : vector<4096xf32>
    %and3A_53 = arith.andi %and3A_49, %gt3A_52 : vector<4096xi1>
    %lt3A_54 = arith.constant 3.840000e+02 : f32
    %lt3A_55 = vector.broadcast %lt3A_54 : f32 to vector<4096xf32>
    %lt3A_56 = arith.cmpf olt, %div3A_41, %lt3A_55 : vector<4096xf32>
    %and3A_57 = arith.andi %and3A_53, %lt3A_56 : vector<4096xi1>
    %gt3A_58 = arith.constant 0.000000e+00 : f32
    %gt3A_59 = vector.broadcast %gt3A_58 : f32 to vector<4096xf32>
    %gt3A_60 = arith.cmpf ogt, %squeeze3A_43, %gt3A_59 : vector<4096xf32>
    %and3A_61 = arith.andi %and3A_57, %gt3A_60 : vector<4096xi1>
    %jit3A_62 = arith.constant 0.000000e+00 : f32
    %broadcast_in_dim3A_63 = vector.broadcast %jit3A_62 : f32 to vector<4096xf32>
    %select_n3A_64 = arith.select %and3A_61, %div3A, %broadcast_in_dim3A_63 : vector<4096xi1>, vector<4096xf32>
    %floor3A = math.floor %select_n3A_64 : vector<4096xf32>
    %convert_element_type3A = arith.fptosi %floor3A : vector<4096xf32> to vector<4096xi32>
    %jit3A_65 = arith.constant 0.000000e+00 : f32
    %broadcast_in_dim3A_66 = vector.broadcast %jit3A_65 : f32 to vector<4096xf32>
    %select_n3A_67 = arith.select %and3A_61, %div3A_41, %broadcast_in_dim3A_66 : vector<4096xi1>, vector<4096xf32>
    %floor3A_68 = math.floor %select_n3A_67 : vector<4096xf32>
    %convert_element_type3A_69 = arith.fptosi %floor3A_68 : vector<4096xf32> to vector<4096xi32>
    %mul3A = arith.constant 1280 : i32
    %mul3A_70 = vector.broadcast %mul3A : i32 to vector<4096xi32>
    %mul3A_71 = arith.muli %convert_element_type3A_69, %mul3A_70 : vector<4096xi32>
    %add3A_72 = arith.addi %mul3A_71, %convert_element_type3A : vector<4096xi32>
    %add3A_73 = arith.constant 0 : i32
    %add3A_74 = vector.broadcast %add3A_73 : i32 to vector<4096xi32>
    %add3A_75 = arith.addi %add3A_72, %add3A_74 : vector<4096xi32>
    %jit3A_76 = arith.constant 0 : i32
    %broadcast_in_dim3A_77 = vector.broadcast %jit3A_76 : i32 to vector<4096xi32>
    %select_n3A_78 = arith.select %and3A_61, %add3A_75, %broadcast_in_dim3A_77 : vector<4096xi1>, vector<4096xi32>
    %jit3A_79 = arith.constant 1.000000e+00 : f32
    %jit3A_80 = arith.constant 0.000000e+00 : f32
    %broadcast_in_dim3A_81 = vector.broadcast %jit3A_79 : f32 to vector<4096xf32>
    %broadcast_in_dim3A_82 = vector.broadcast %jit3A_80 : f32 to vector<4096xf32>
    %select_n3A_83 = arith.select %and3A_61, %broadcast_in_dim3A_81, %broadcast_in_dim3A_82 : vector<4096xi1>, vector<4096xf32>
    %slice3A_84 = vector.extract_strided_slice %dot_general3A_34 {offsets = [4, 0], sizes = [1, 4096], strides = [1, 1]} : vector<20x4096xf32> to vector<1x4096xf32>
    %squeeze3A_85 = vector.shape_cast %slice3A_84 : vector<1x4096xf32> to vector<4096xf32>
    %slice3A_86 = vector.extract_strided_slice %dot_general3A_34 {offsets = [6, 0], sizes = [1, 4096], strides = [1, 1]} : vector<20x4096xf32> to vector<1x4096xf32>
    %squeeze3A_87 = vector.shape_cast %slice3A_86 : vector<1x4096xf32> to vector<4096xf32>
    %div3A_88 = arith.divf %squeeze3A_85, %squeeze3A_87 : vector<4096xf32>
    %slice3A_89 = vector.extract_strided_slice %dot_general3A_34 {offsets = [5, 0], sizes = [1, 4096], strides = [1, 1]} : vector<20x4096xf32> to vector<1x4096xf32>
    %squeeze3A_90 = vector.shape_cast %slice3A_89 : vector<1x4096xf32> to vector<4096xf32>
    %slice3A_91 = vector.extract_strided_slice %dot_general3A_34 {offsets = [6, 0], sizes = [1, 4096], strides = [1, 1]} : vector<20x4096xf32> to vector<1x4096xf32>
    %squeeze3A_92 = vector.shape_cast %slice3A_91 : vector<1x4096xf32> to vector<4096xf32>
    %div3A_93 = arith.divf %squeeze3A_90, %squeeze3A_92 : vector<4096xf32>
    %slice3A_94 = vector.extract_strided_slice %dot_general3A_5 {offsets = [6, 0], sizes = [1, 4096], strides = [1, 1]} : vector<20x4096xf32> to vector<1x4096xf32>
    %squeeze3A_95 = vector.shape_cast %slice3A_94 : vector<1x4096xf32> to vector<4096xf32>
    %gt3A_96 = arith.constant 0.000000e+00 : f32
    %gt3A_97 = vector.broadcast %gt3A_96 : f32 to vector<4096xf32>
    %gt3A_98 = arith.cmpf ogt, %div3A_88, %gt3A_97 : vector<4096xf32>
    %lt3A_99 = arith.constant 1.280000e+03 : f32
    %lt3A_100 = vector.broadcast %lt3A_99 : f32 to vector<4096xf32>
    %lt3A_101 = arith.cmpf olt, %div3A_88, %lt3A_100 : vector<4096xf32>
    %and3A_102 = arith.andi %gt3A_98, %lt3A_101 : vector<4096xi1>
    %gt3A_103 = arith.constant 0.000000e+00 : f32
    %gt3A_104 = vector.broadcast %gt3A_103 : f32 to vector<4096xf32>
    %gt3A_105 = arith.cmpf ogt, %div3A_93, %gt3A_104 : vector<4096xf32>
    %and3A_106 = arith.andi %and3A_102, %gt3A_105 : vector<4096xi1>
    %lt3A_107 = arith.constant 3.840000e+02 : f32
    %lt3A_108 = vector.broadcast %lt3A_107 : f32 to vector<4096xf32>
    %lt3A_109 = arith.cmpf olt, %div3A_93, %lt3A_108 : vector<4096xf32>
    %and3A_110 = arith.andi %and3A_106, %lt3A_109 : vector<4096xi1>
    %gt3A_111 = arith.constant 0.000000e+00 : f32
    %gt3A_112 = vector.broadcast %gt3A_111 : f32 to vector<4096xf32>
    %gt3A_113 = arith.cmpf ogt, %squeeze3A_95, %gt3A_112 : vector<4096xf32>
    %and3A_114 = arith.andi %and3A_110, %gt3A_113 : vector<4096xi1>
    %jit3A_115 = arith.constant 0.000000e+00 : f32
    %broadcast_in_dim3A_116 = vector.broadcast %jit3A_115 : f32 to vector<4096xf32>
    %select_n3A_117 = arith.select %and3A_114, %div3A_88, %broadcast_in_dim3A_116 : vector<4096xi1>, vector<4096xf32>
    %floor3A_118 = math.floor %select_n3A_117 : vector<4096xf32>
    %convert_element_type3A_119 = arith.fptosi %floor3A_118 : vector<4096xf32> to vector<4096xi32>
    %jit3A_120 = arith.constant 0.000000e+00 : f32
    %broadcast_in_dim3A_121 = vector.broadcast %jit3A_120 : f32 to vector<4096xf32>
    %select_n3A_122 = arith.select %and3A_114, %div3A_93, %broadcast_in_dim3A_121 : vector<4096xi1>, vector<4096xf32>
    %floor3A_123 = math.floor %select_n3A_122 : vector<4096xf32>
    %convert_element_type3A_124 = arith.fptosi %floor3A_123 : vector<4096xf32> to vector<4096xi32>
    %mul3A_125 = arith.constant 1280 : i32
    %mul3A_126 = vector.broadcast %mul3A_125 : i32 to vector<4096xi32>
    %mul3A_127 = arith.muli %convert_element_type3A_124, %mul3A_126 : vector<4096xi32>
    %add3A_128 = arith.addi %mul3A_127, %convert_element_type3A_119 : vector<4096xi32>
    %add3A_129 = arith.constant 491520 : i32
    %add3A_130 = vector.broadcast %add3A_129 : i32 to vector<4096xi32>
    %add3A_131 = arith.addi %add3A_128, %add3A_130 : vector<4096xi32>
    %jit3A_132 = arith.constant 0 : i32
    %broadcast_in_dim3A_133 = vector.broadcast %jit3A_132 : i32 to vector<4096xi32>
    %select_n3A_134 = arith.select %and3A_114, %add3A_131, %broadcast_in_dim3A_133 : vector<4096xi1>, vector<4096xi32>
    %jit3A_135 = arith.constant 1.000000e+00 : f32
    %jit3A_136 = arith.constant 0.000000e+00 : f32
    %broadcast_in_dim3A_137 = vector.broadcast %jit3A_135 : f32 to vector<4096xf32>
    %broadcast_in_dim3A_138 = vector.broadcast %jit3A_136 : f32 to vector<4096xf32>
    %select_n3A_139 = arith.select %and3A_114, %broadcast_in_dim3A_137, %broadcast_in_dim3A_138 : vector<4096xi1>, vector<4096xf32>
    %slice3A_140 = vector.extract_strided_slice %dot_general3A_34 {offsets = [8, 0], sizes = [1, 4096], strides = [1, 1]} : vector<20x4096xf32> to vector<1x4096xf32>
    %squeeze3A_141 = vector.shape_cast %slice3A_140 : vector<1x4096xf32> to vector<4096xf32>
    %slice3A_142 = vector.extract_strided_slice %dot_general3A_34 {offsets = [10, 0], sizes = [1, 4096], strides = [1, 1]} : vector<20x4096xf32> to vector<1x4096xf32>
    %squeeze3A_143 = vector.shape_cast %slice3A_142 : vector<1x4096xf32> to vector<4096xf32>
    %div3A_144 = arith.divf %squeeze3A_141, %squeeze3A_143 : vector<4096xf32>
    %slice3A_145 = vector.extract_strided_slice %dot_general3A_34 {offsets = [9, 0], sizes = [1, 4096], strides = [1, 1]} : vector<20x4096xf32> to vector<1x4096xf32>
    %squeeze3A_146 = vector.shape_cast %slice3A_145 : vector<1x4096xf32> to vector<4096xf32>
    %slice3A_147 = vector.extract_strided_slice %dot_general3A_34 {offsets = [10, 0], sizes = [1, 4096], strides = [1, 1]} : vector<20x4096xf32> to vector<1x4096xf32>
    %squeeze3A_148 = vector.shape_cast %slice3A_147 : vector<1x4096xf32> to vector<4096xf32>
    %div3A_149 = arith.divf %squeeze3A_146, %squeeze3A_148 : vector<4096xf32>
    %slice3A_150 = vector.extract_strided_slice %dot_general3A_5 {offsets = [10, 0], sizes = [1, 4096], strides = [1, 1]} : vector<20x4096xf32> to vector<1x4096xf32>
    %squeeze3A_151 = vector.shape_cast %slice3A_150 : vector<1x4096xf32> to vector<4096xf32>
    %gt3A_152 = arith.constant 0.000000e+00 : f32
    %gt3A_153 = vector.broadcast %gt3A_152 : f32 to vector<4096xf32>
    %gt3A_154 = arith.cmpf ogt, %div3A_144, %gt3A_153 : vector<4096xf32>
    %lt3A_155 = arith.constant 1.280000e+03 : f32
    %lt3A_156 = vector.broadcast %lt3A_155 : f32 to vector<4096xf32>
    %lt3A_157 = arith.cmpf olt, %div3A_144, %lt3A_156 : vector<4096xf32>
    %and3A_158 = arith.andi %gt3A_154, %lt3A_157 : vector<4096xi1>
    %gt3A_159 = arith.constant 0.000000e+00 : f32
    %gt3A_160 = vector.broadcast %gt3A_159 : f32 to vector<4096xf32>
    %gt3A_161 = arith.cmpf ogt, %div3A_149, %gt3A_160 : vector<4096xf32>
    %and3A_162 = arith.andi %and3A_158, %gt3A_161 : vector<4096xi1>
    %lt3A_163 = arith.constant 3.840000e+02 : f32
    %lt3A_164 = vector.broadcast %lt3A_163 : f32 to vector<4096xf32>
    %lt3A_165 = arith.cmpf olt, %div3A_149, %lt3A_164 : vector<4096xf32>
    %and3A_166 = arith.andi %and3A_162, %lt3A_165 : vector<4096xi1>
    %gt3A_167 = arith.constant 0.000000e+00 : f32
    %gt3A_168 = vector.broadcast %gt3A_167 : f32 to vector<4096xf32>
    %gt3A_169 = arith.cmpf ogt, %squeeze3A_151, %gt3A_168 : vector<4096xf32>
    %and3A_170 = arith.andi %and3A_166, %gt3A_169 : vector<4096xi1>
    %jit3A_171 = arith.constant 0.000000e+00 : f32
    %broadcast_in_dim3A_172 = vector.broadcast %jit3A_171 : f32 to vector<4096xf32>
    %select_n3A_173 = arith.select %and3A_170, %div3A_144, %broadcast_in_dim3A_172 : vector<4096xi1>, vector<4096xf32>
    %floor3A_174 = math.floor %select_n3A_173 : vector<4096xf32>
    %convert_element_type3A_175 = arith.fptosi %floor3A_174 : vector<4096xf32> to vector<4096xi32>
    %jit3A_176 = arith.constant 0.000000e+00 : f32
    %broadcast_in_dim3A_177 = vector.broadcast %jit3A_176 : f32 to vector<4096xf32>
    %select_n3A_178 = arith.select %and3A_170, %div3A_149, %broadcast_in_dim3A_177 : vector<4096xi1>, vector<4096xf32>
    %floor3A_179 = math.floor %select_n3A_178 : vector<4096xf32>
    %convert_element_type3A_180 = arith.fptosi %floor3A_179 : vector<4096xf32> to vector<4096xi32>
    %mul3A_181 = arith.constant 1280 : i32
    %mul3A_182 = vector.broadcast %mul3A_181 : i32 to vector<4096xi32>
    %mul3A_183 = arith.muli %convert_element_type3A_180, %mul3A_182 : vector<4096xi32>
    %add3A_184 = arith.addi %mul3A_183, %convert_element_type3A_175 : vector<4096xi32>
    %add3A_185 = arith.constant 983040 : i32
    %add3A_186 = vector.broadcast %add3A_185 : i32 to vector<4096xi32>
    %add3A_187 = arith.addi %add3A_184, %add3A_186 : vector<4096xi32>
    %jit3A_188 = arith.constant 0 : i32
    %broadcast_in_dim3A_189 = vector.broadcast %jit3A_188 : i32 to vector<4096xi32>
    %select_n3A_190 = arith.select %and3A_170, %add3A_187, %broadcast_in_dim3A_189 : vector<4096xi1>, vector<4096xi32>
    %jit3A_191 = arith.constant 1.000000e+00 : f32
    %jit3A_192 = arith.constant 0.000000e+00 : f32
    %broadcast_in_dim3A_193 = vector.broadcast %jit3A_191 : f32 to vector<4096xf32>
    %broadcast_in_dim3A_194 = vector.broadcast %jit3A_192 : f32 to vector<4096xf32>
    %select_n3A_195 = arith.select %and3A_170, %broadcast_in_dim3A_193, %broadcast_in_dim3A_194 : vector<4096xi1>, vector<4096xf32>
    %slice3A_196 = vector.extract_strided_slice %dot_general3A_34 {offsets = [12, 0], sizes = [1, 4096], strides = [1, 1]} : vector<20x4096xf32> to vector<1x4096xf32>
    %squeeze3A_197 = vector.shape_cast %slice3A_196 : vector<1x4096xf32> to vector<4096xf32>
    %slice3A_198 = vector.extract_strided_slice %dot_general3A_34 {offsets = [14, 0], sizes = [1, 4096], strides = [1, 1]} : vector<20x4096xf32> to vector<1x4096xf32>
    %squeeze3A_199 = vector.shape_cast %slice3A_198 : vector<1x4096xf32> to vector<4096xf32>
    %div3A_200 = arith.divf %squeeze3A_197, %squeeze3A_199 : vector<4096xf32>
    %slice3A_201 = vector.extract_strided_slice %dot_general3A_34 {offsets = [13, 0], sizes = [1, 4096], strides = [1, 1]} : vector<20x4096xf32> to vector<1x4096xf32>
    %squeeze3A_202 = vector.shape_cast %slice3A_201 : vector<1x4096xf32> to vector<4096xf32>
    %slice3A_203 = vector.extract_strided_slice %dot_general3A_34 {offsets = [14, 0], sizes = [1, 4096], strides = [1, 1]} : vector<20x4096xf32> to vector<1x4096xf32>
    %squeeze3A_204 = vector.shape_cast %slice3A_203 : vector<1x4096xf32> to vector<4096xf32>
    %div3A_205 = arith.divf %squeeze3A_202, %squeeze3A_204 : vector<4096xf32>
    %slice3A_206 = vector.extract_strided_slice %dot_general3A_5 {offsets = [14, 0], sizes = [1, 4096], strides = [1, 1]} : vector<20x4096xf32> to vector<1x4096xf32>
    %squeeze3A_207 = vector.shape_cast %slice3A_206 : vector<1x4096xf32> to vector<4096xf32>
    %gt3A_208 = arith.constant 0.000000e+00 : f32
    %gt3A_209 = vector.broadcast %gt3A_208 : f32 to vector<4096xf32>
    %gt3A_210 = arith.cmpf ogt, %div3A_200, %gt3A_209 : vector<4096xf32>
    %lt3A_211 = arith.constant 1.280000e+03 : f32
    %lt3A_212 = vector.broadcast %lt3A_211 : f32 to vector<4096xf32>
    %lt3A_213 = arith.cmpf olt, %div3A_200, %lt3A_212 : vector<4096xf32>
    %and3A_214 = arith.andi %gt3A_210, %lt3A_213 : vector<4096xi1>
    %gt3A_215 = arith.constant 0.000000e+00 : f32
    %gt3A_216 = vector.broadcast %gt3A_215 : f32 to vector<4096xf32>
    %gt3A_217 = arith.cmpf ogt, %div3A_205, %gt3A_216 : vector<4096xf32>
    %and3A_218 = arith.andi %and3A_214, %gt3A_217 : vector<4096xi1>
    %lt3A_219 = arith.constant 3.840000e+02 : f32
    %lt3A_220 = vector.broadcast %lt3A_219 : f32 to vector<4096xf32>
    %lt3A_221 = arith.cmpf olt, %div3A_205, %lt3A_220 : vector<4096xf32>
    %and3A_222 = arith.andi %and3A_218, %lt3A_221 : vector<4096xi1>
    %gt3A_223 = arith.constant 0.000000e+00 : f32
    %gt3A_224 = vector.broadcast %gt3A_223 : f32 to vector<4096xf32>
    %gt3A_225 = arith.cmpf ogt, %squeeze3A_207, %gt3A_224 : vector<4096xf32>
    %and3A_226 = arith.andi %and3A_222, %gt3A_225 : vector<4096xi1>
    %jit3A_227 = arith.constant 0.000000e+00 : f32
    %broadcast_in_dim3A_228 = vector.broadcast %jit3A_227 : f32 to vector<4096xf32>
    %select_n3A_229 = arith.select %and3A_226, %div3A_200, %broadcast_in_dim3A_228 : vector<4096xi1>, vector<4096xf32>
    %floor3A_230 = math.floor %select_n3A_229 : vector<4096xf32>
    %convert_element_type3A_231 = arith.fptosi %floor3A_230 : vector<4096xf32> to vector<4096xi32>
    %jit3A_232 = arith.constant 0.000000e+00 : f32
    %broadcast_in_dim3A_233 = vector.broadcast %jit3A_232 : f32 to vector<4096xf32>
    %select_n3A_234 = arith.select %and3A_226, %div3A_205, %broadcast_in_dim3A_233 : vector<4096xi1>, vector<4096xf32>
    %floor3A_235 = math.floor %select_n3A_234 : vector<4096xf32>
    %convert_element_type3A_236 = arith.fptosi %floor3A_235 : vector<4096xf32> to vector<4096xi32>
    %mul3A_237 = arith.constant 1280 : i32
    %mul3A_238 = vector.broadcast %mul3A_237 : i32 to vector<4096xi32>
    %mul3A_239 = arith.muli %convert_element_type3A_236, %mul3A_238 : vector<4096xi32>
    %add3A_240 = arith.addi %mul3A_239, %convert_element_type3A_231 : vector<4096xi32>
    %add3A_241 = arith.constant 1474560 : i32
    %add3A_242 = vector.broadcast %add3A_241 : i32 to vector<4096xi32>
    %add3A_243 = arith.addi %add3A_240, %add3A_242 : vector<4096xi32>
    %jit3A_244 = arith.constant 0 : i32
    %broadcast_in_dim3A_245 = vector.broadcast %jit3A_244 : i32 to vector<4096xi32>
    %select_n3A_246 = arith.select %and3A_226, %add3A_243, %broadcast_in_dim3A_245 : vector<4096xi1>, vector<4096xi32>
    %jit3A_247 = arith.constant 1.000000e+00 : f32
    %jit3A_248 = arith.constant 0.000000e+00 : f32
    %broadcast_in_dim3A_249 = vector.broadcast %jit3A_247 : f32 to vector<4096xf32>
    %broadcast_in_dim3A_250 = vector.broadcast %jit3A_248 : f32 to vector<4096xf32>
    %select_n3A_251 = arith.select %and3A_226, %broadcast_in_dim3A_249, %broadcast_in_dim3A_250 : vector<4096xi1>, vector<4096xf32>
    %slice3A_252 = vector.extract_strided_slice %dot_general3A_34 {offsets = [16, 0], sizes = [1, 4096], strides = [1, 1]} : vector<20x4096xf32> to vector<1x4096xf32>
    %squeeze3A_253 = vector.shape_cast %slice3A_252 : vector<1x4096xf32> to vector<4096xf32>
    %slice3A_254 = vector.extract_strided_slice %dot_general3A_34 {offsets = [18, 0], sizes = [1, 4096], strides = [1, 1]} : vector<20x4096xf32> to vector<1x4096xf32>
    %squeeze3A_255 = vector.shape_cast %slice3A_254 : vector<1x4096xf32> to vector<4096xf32>
    %div3A_256 = arith.divf %squeeze3A_253, %squeeze3A_255 : vector<4096xf32>
    %slice3A_257 = vector.extract_strided_slice %dot_general3A_34 {offsets = [17, 0], sizes = [1, 4096], strides = [1, 1]} : vector<20x4096xf32> to vector<1x4096xf32>
    %squeeze3A_258 = vector.shape_cast %slice3A_257 : vector<1x4096xf32> to vector<4096xf32>
    %slice3A_259 = vector.extract_strided_slice %dot_general3A_34 {offsets = [18, 0], sizes = [1, 4096], strides = [1, 1]} : vector<20x4096xf32> to vector<1x4096xf32>
    %squeeze3A_260 = vector.shape_cast %slice3A_259 : vector<1x4096xf32> to vector<4096xf32>
    %div3A_261 = arith.divf %squeeze3A_258, %squeeze3A_260 : vector<4096xf32>
    %slice3A_262 = vector.extract_strided_slice %dot_general3A_5 {offsets = [18, 0], sizes = [1, 4096], strides = [1, 1]} : vector<20x4096xf32> to vector<1x4096xf32>
    %squeeze3A_263 = vector.shape_cast %slice3A_262 : vector<1x4096xf32> to vector<4096xf32>
    %gt3A_264 = arith.constant 0.000000e+00 : f32
    %gt3A_265 = vector.broadcast %gt3A_264 : f32 to vector<4096xf32>
    %gt3A_266 = arith.cmpf ogt, %div3A_256, %gt3A_265 : vector<4096xf32>
    %lt3A_267 = arith.constant 1.280000e+03 : f32
    %lt3A_268 = vector.broadcast %lt3A_267 : f32 to vector<4096xf32>
    %lt3A_269 = arith.cmpf olt, %div3A_256, %lt3A_268 : vector<4096xf32>
    %and3A_270 = arith.andi %gt3A_266, %lt3A_269 : vector<4096xi1>
    %gt3A_271 = arith.constant 0.000000e+00 : f32
    %gt3A_272 = vector.broadcast %gt3A_271 : f32 to vector<4096xf32>
    %gt3A_273 = arith.cmpf ogt, %div3A_261, %gt3A_272 : vector<4096xf32>
    %and3A_274 = arith.andi %and3A_270, %gt3A_273 : vector<4096xi1>
    %lt3A_275 = arith.constant 3.840000e+02 : f32
    %lt3A_276 = vector.broadcast %lt3A_275 : f32 to vector<4096xf32>
    %lt3A_277 = arith.cmpf olt, %div3A_261, %lt3A_276 : vector<4096xf32>
    %and3A_278 = arith.andi %and3A_274, %lt3A_277 : vector<4096xi1>
    %gt3A_279 = arith.constant 0.000000e+00 : f32
    %gt3A_280 = vector.broadcast %gt3A_279 : f32 to vector<4096xf32>
    %gt3A_281 = arith.cmpf ogt, %squeeze3A_263, %gt3A_280 : vector<4096xf32>
    %and3A_282 = arith.andi %and3A_278, %gt3A_281 : vector<4096xi1>
    %jit3A_283 = arith.constant 0.000000e+00 : f32
    %broadcast_in_dim3A_284 = vector.broadcast %jit3A_283 : f32 to vector<4096xf32>
    %select_n3A_285 = arith.select %and3A_282, %div3A_256, %broadcast_in_dim3A_284 : vector<4096xi1>, vector<4096xf32>
    %floor3A_286 = math.floor %select_n3A_285 : vector<4096xf32>
    %convert_element_type3A_287 = arith.fptosi %floor3A_286 : vector<4096xf32> to vector<4096xi32>
    %jit3A_288 = arith.constant 0.000000e+00 : f32
    %broadcast_in_dim3A_289 = vector.broadcast %jit3A_288 : f32 to vector<4096xf32>
    %select_n3A_290 = arith.select %and3A_282, %div3A_261, %broadcast_in_dim3A_289 : vector<4096xi1>, vector<4096xf32>
    %floor3A_291 = math.floor %select_n3A_290 : vector<4096xf32>
    %convert_element_type3A_292 = arith.fptosi %floor3A_291 : vector<4096xf32> to vector<4096xi32>
    %mul3A_293 = arith.constant 1280 : i32
    %mul3A_294 = vector.broadcast %mul3A_293 : i32 to vector<4096xi32>
    %mul3A_295 = arith.muli %convert_element_type3A_292, %mul3A_294 : vector<4096xi32>
    %add3A_296 = arith.addi %mul3A_295, %convert_element_type3A_287 : vector<4096xi32>
    %add3A_297 = arith.constant 1966080 : i32
    %add3A_298 = vector.broadcast %add3A_297 : i32 to vector<4096xi32>
    %add3A_299 = arith.addi %add3A_296, %add3A_298 : vector<4096xi32>
    %jit3A_300 = arith.constant 0 : i32
    %broadcast_in_dim3A_301 = vector.broadcast %jit3A_300 : i32 to vector<4096xi32>
    %select_n3A_302 = arith.select %and3A_282, %add3A_299, %broadcast_in_dim3A_301 : vector<4096xi1>, vector<4096xi32>
    %jit3A_303 = arith.constant 1.000000e+00 : f32
    %jit3A_304 = arith.constant 0.000000e+00 : f32
    %broadcast_in_dim3A_305 = vector.broadcast %jit3A_303 : f32 to vector<4096xf32>
    %broadcast_in_dim3A_306 = vector.broadcast %jit3A_304 : f32 to vector<4096xf32>
    %select_n3A_307 = arith.select %and3A_282, %broadcast_in_dim3A_305, %broadcast_in_dim3A_306 : vector<4096xi1>, vector<4096xf32>
    %mul3A_308 = arith.constant 5.000000e-01 : f32
    %mul3A_309 = vector.broadcast %mul3A_308 : f32 to vector<4096xf32>
    %mul3A_310 = arith.mulf %mul3A_309, %select_n3A_83 : vector<4096xf32>
    %mul3A_311 = arith.mulf %mul3A_310, %select_n3A_139 : vector<4096xf32>
    %sub3A = arith.constant 1.000000e+00 : f32
    %sub3A_312 = vector.broadcast %sub3A : f32 to vector<4096xf32>
    %sub3A_313 = arith.subf %sub3A_312, %mul3A_311 : vector<4096xf32>
    %mul3A_314 = arith.constant 5.000000e-01 : f32
    %mul3A_315 = vector.broadcast %mul3A_314 : f32 to vector<4096xf32>
    %mul3A_316 = arith.mulf %mul3A_315, %select_n3A_83 : vector<4096xf32>
    %mul3A_317 = arith.mulf %mul3A_316, %select_n3A_195 : vector<4096xf32>
    %sub3A_318 = arith.constant 1.000000e+00 : f32
    %sub3A_319 = vector.broadcast %sub3A_318 : f32 to vector<4096xf32>
    %sub3A_320 = arith.subf %sub3A_319, %mul3A_317 : vector<4096xf32>
    %mul3A_321 = arith.mulf %sub3A_313, %sub3A_320 : vector<4096xf32>
    %mul3A_322 = arith.constant 5.000000e-01 : f32
    %mul3A_323 = vector.broadcast %mul3A_322 : f32 to vector<4096xf32>
    %mul3A_324 = arith.mulf %mul3A_323, %select_n3A_139 : vector<4096xf32>
    %mul3A_325 = arith.mulf %mul3A_324, %select_n3A_251 : vector<4096xf32>
    %sub3A_326 = arith.constant 1.000000e+00 : f32
    %sub3A_327 = vector.broadcast %sub3A_326 : f32 to vector<4096xf32>
    %sub3A_328 = arith.subf %sub3A_327, %mul3A_325 : vector<4096xf32>
    %mul3A_329 = arith.mulf %mul3A_321, %sub3A_328 : vector<4096xf32>
    %mul3A_330 = arith.constant 5.000000e-01 : f32
    %mul3A_331 = vector.broadcast %mul3A_330 : f32 to vector<4096xf32>
    %mul3A_332 = arith.mulf %mul3A_331, %select_n3A_195 : vector<4096xf32>
    %mul3A_333 = arith.mulf %mul3A_332, %select_n3A_307 : vector<4096xf32>
    %sub3A_334 = arith.constant 1.000000e+00 : f32
    %sub3A_335 = vector.broadcast %sub3A_334 : f32 to vector<4096xf32>
    %sub3A_336 = arith.subf %sub3A_335, %mul3A_333 : vector<4096xf32>
    %mul3A_337 = arith.mulf %mul3A_329, %sub3A_336 : vector<4096xf32>
    %add3A_338 = arith.addf %select_n3A_83, %select_n3A_139 : vector<4096xf32>
    %add3A_339 = arith.addf %add3A_338, %select_n3A_195 : vector<4096xf32>
    %add3A_340 = arith.addf %add3A_339, %select_n3A_251 : vector<4096xf32>
    %add3A_341 = arith.addf %add3A_340, %select_n3A_307 : vector<4096xf32>
    %sub3A_342 = arith.constant 5.000000e+00 : f32
    %sub3A_343 = vector.broadcast %sub3A_342 : f32 to vector<4096xf32>
    %sub3A_344 = arith.subf %sub3A_343, %add3A_341 : vector<4096xf32>
    %stack3A = vector.shape_cast %select_n3A_78 : vector<4096xi32> to vector<1x4096xi32>
    %stack3A_345 = vector.shape_cast %select_n3A_134 : vector<4096xi32> to vector<1x4096xi32>
    %stack3A_346 = vector.shape_cast %select_n3A_190 : vector<4096xi32> to vector<1x4096xi32>
    %stack3A_347 = vector.shape_cast %select_n3A_246 : vector<4096xi32> to vector<1x4096xi32>
    %stack3A_348 = vector.shape_cast %select_n3A_302 : vector<4096xi32> to vector<1x4096xi32>
    %stack3A_349 = tpu.concatenate %stack3A, %stack3A_345, %stack3A_346, %stack3A_347, %stack3A_348 in 0 : vector<1x4096xi32>, vector<1x4096xi32>, vector<1x4096xi32>, vector<1x4096xi32>, vector<1x4096xi32> -> vector<5x4096xi32>
    %swap3A = arith.constant 0 : index
    %swap3A_350 = arith.constant 0 : index
    %swap3A_351 = vector.load %arg5[%swap3A, %swap3A_350] : memref<5x4096xi32, #tpu.memory_space<vmem>>, vector<5x4096xi32>
    tpu.vector_store %arg5[%swap3A, %swap3A_350], %stack3A_349 {strides = array<i32>} : memref<5x4096xi32, #tpu.memory_space<vmem>>, vector<5x4096xi32>,
    %stack3A_352 = vector.shape_cast %mul3A_337 : vector<4096xf32> to vector<1x4096xf32>
    %stack3A_353 = vector.shape_cast %sub3A_344 : vector<4096xf32> to vector<1x4096xf32>
    %stack3A_354 = tpu.concatenate %stack3A_352, %stack3A_353 in 0 : vector<1x4096xf32>, vector<1x4096xf32> -> vector<2x4096xf32>
    %swap3A_355 = arith.constant 0 : index
    %swap3A_356 = arith.constant 0 : index
    %swap3A_357 = vector.load %arg6[%swap3A_355, %swap3A_356] : memref<2x4096xf32, #tpu.memory_space<vmem>>, vector<2x4096xf32>
    tpu.vector_store %arg6[%swap3A_355, %swap3A_356], %stack3A_354 {strides = array<i32>} : memref<2x4096xf32, #tpu.memory_space<vmem>>, vector<2x4096xf32>,
    return
  }
  func.func @transform_0(%arg0: i32) -> (i32, i32) {
    %c0_i32 = arith.constant 0 : i32
    %c0_i32_0 = arith.constant 0 : i32
    return %c0_i32, %arg0 : i32, i32
  }
  func.func @transform_1(%arg0: i32) -> (i32, i32) {
    %c0_i32 = arith.constant 0 : i32
    %c0_i32_0 = arith.constant 0 : i32
    %c0_i32_1 = arith.constant 0 : i32
    return %c0_i32, %c0_i32_0 : i32, i32
  }
  func.func @transform_2(%arg0: i32) -> (i32, i32) {
    %c0_i32 = arith.constant 0 : i32
    %c0_i32_0 = arith.constant 0 : i32
    %c0_i32_1 = arith.constant 0 : i32
    return %c0_i32, %c0_i32_0 : i32, i32
  }
  func.func @transform_3(%arg0: i32) -> (i32, i32) {
    %c0_i32 = arith.constant 0 : i32
    %c0_i32_0 = arith.constant 0 : i32
    %c0_i32_1 = arith.constant 0 : i32
    return %c0_i32, %c0_i32_0 : i32, i32
  }
  func.func @transform_4(%arg0: i32) -> (i32, i32) {
    %c0_i32 = arith.constant 0 : i32
    %c0_i32_0 = arith.constant 0 : i32
    return %c0_i32, %arg0 : i32, i32
  }
  func.func @transform_5(%arg0: i32) -> (i32, i32) {
    %c0_i32 = arith.constant 0 : i32
    %c0_i32_0 = arith.constant 0 : i32
    return %c0_i32, %arg0 : i32, i32
  }
}

module attributes {stable_mosaic.version = 14 : i64} {
  func.func @_score_block(%arg0: i32, %arg1: i32, %arg2: memref<1x19x32x1280xf32, #tpu.memory_space<vmem>>, %arg3: memref<16x1x32x1280xf32, #tpu.memory_space<vmem>>) attributes {dimension_semantics = [#tpu.dimension_semantics<arbitrary>, #tpu.dimension_semantics<arbitrary>], iteration_bounds = array<i64: 5, 12>, scalar_prefetch = 0 : i64, scratch_operands = 0 : i64, tpu.core_type = #tpu.core_type<tc>, window_params = [{transform_indices = @transform_0, window_bounds = array<i64: 1, 19, 32, 1280>}, {transform_indices = @transform_1, window_bounds = array<i64: 16, 1, 32, 1280>}]} {
    %get3A = arith.constant 0 : index
    %get3A_0 = arith.constant 0 : index
    %get3A_1 = arith.constant 0 : index
    %get3A_2 = arith.constant 0 : index
    %get3A_3 = vector.load %arg2[%get3A, %get3A_0, %get3A_1, %get3A_2] : memref<1x19x32x1280xf32, #tpu.memory_space<vmem>>, vector<1x19x32x1280xf32>
    %get3A_4 = vector.shape_cast %get3A_3 : vector<1x19x32x1280xf32> to vector<19x32x1280xf32>
    %reduce_max3A = arith.constant dense<0xFF800000> : vector<32x1280xf32>
    %reduce_max3A_5 = vector.multi_reduction <maximumf>, %get3A_4, %reduce_max3A [0] : vector<19x32x1280xf32> to vector<32x1280xf32>
    %broadcast_in_dim3A = vector.shape_cast %reduce_max3A_5 : vector<32x1280xf32> to vector<1x32x1280xf32>
    %sub3A = vector.broadcast %broadcast_in_dim3A : vector<1x32x1280xf32> to vector<19x32x1280xf32>
    %sub3A_6 = arith.subf %get3A_4, %sub3A : vector<19x32x1280xf32>
    %exp3A = math.exp %sub3A_6 : vector<19x32x1280xf32>
    %reduce_sum3A = arith.constant dense<0.000000e+00> : vector<32x1280xf32>
    %reduce_sum3A_7 = vector.multi_reduction <add>, %exp3A, %reduce_sum3A [0] : vector<19x32x1280xf32> to vector<32x1280xf32>
    %div3A = arith.constant 1.000000e+00 : f32
    %div3A_8 = vector.broadcast %div3A : f32 to vector<32x1280xf32>
    %div3A_9 = arith.divf %div3A_8, %reduce_sum3A_7 : vector<32x1280xf32>
    %slice3A = vector.extract_strided_slice %exp3A {offsets = [0, 0, 0], sizes = [11, 32, 1280], strides = [1, 1, 1]} : vector<19x32x1280xf32> to vector<11x32x1280xf32>
    %reduce_sum3A_10 = arith.constant dense<0.000000e+00> : vector<32x1280xf32>
    %reduce_sum3A_11 = vector.multi_reduction <add>, %slice3A, %reduce_sum3A_10 [0] : vector<11x32x1280xf32> to vector<32x1280xf32>
    %mul3A = arith.mulf %reduce_sum3A_11, %div3A_9 : vector<32x1280xf32>
    %slice3A_12 = vector.extract_strided_slice %exp3A {offsets = [18, 0, 0], sizes = [1, 32, 1280], strides = [1, 1, 1]} : vector<19x32x1280xf32> to vector<1x32x1280xf32>
    %squeeze3A = vector.shape_cast %slice3A_12 : vector<1x32x1280xf32> to vector<32x1280xf32>
    %mul3A_13 = arith.mulf %squeeze3A, %div3A_9 : vector<32x1280xf32>
    %slice3A_14 = vector.extract_strided_slice %exp3A {offsets = [13, 0, 0], sizes = [1, 32, 1280], strides = [1, 1, 1]} : vector<19x32x1280xf32> to vector<1x32x1280xf32>
    %squeeze3A_15 = vector.shape_cast %slice3A_14 : vector<1x32x1280xf32> to vector<32x1280xf32>
    %slice3A_16 = vector.extract_strided_slice %exp3A {offsets = [14, 0, 0], sizes = [1, 32, 1280], strides = [1, 1, 1]} : vector<19x32x1280xf32> to vector<1x32x1280xf32>
    %squeeze3A_17 = vector.shape_cast %slice3A_16 : vector<1x32x1280xf32> to vector<32x1280xf32>
    %add3A = arith.addf %squeeze3A_15, %squeeze3A_17 : vector<32x1280xf32>
    %slice3A_18 = vector.extract_strided_slice %exp3A {offsets = [15, 0, 0], sizes = [1, 32, 1280], strides = [1, 1, 1]} : vector<19x32x1280xf32> to vector<1x32x1280xf32>
    %squeeze3A_19 = vector.shape_cast %slice3A_18 : vector<1x32x1280xf32> to vector<32x1280xf32>
    %add3A_20 = arith.addf %add3A, %squeeze3A_19 : vector<32x1280xf32>
    %slice3A_21 = vector.extract_strided_slice %exp3A {offsets = [16, 0, 0], sizes = [1, 32, 1280], strides = [1, 1, 1]} : vector<19x32x1280xf32> to vector<1x32x1280xf32>
    %squeeze3A_22 = vector.shape_cast %slice3A_21 : vector<1x32x1280xf32> to vector<32x1280xf32>
    %add3A_23 = arith.addf %add3A_20, %squeeze3A_22 : vector<32x1280xf32>
    %mul3A_24 = arith.mulf %add3A_23, %div3A_9 : vector<32x1280xf32>
    %slice3A_25 = vector.extract_strided_slice %exp3A {offsets = [11, 0, 0], sizes = [1, 32, 1280], strides = [1, 1, 1]} : vector<19x32x1280xf32> to vector<1x32x1280xf32>
    %squeeze3A_26 = vector.shape_cast %slice3A_25 : vector<1x32x1280xf32> to vector<32x1280xf32>
    %mul3A_27 = arith.mulf %squeeze3A_26, %div3A_9 : vector<32x1280xf32>
    %slice3A_28 = vector.extract_strided_slice %exp3A {offsets = [12, 0, 0], sizes = [1, 32, 1280], strides = [1, 1, 1]} : vector<19x32x1280xf32> to vector<1x32x1280xf32>
    %squeeze3A_29 = vector.shape_cast %slice3A_28 : vector<1x32x1280xf32> to vector<32x1280xf32>
    %mul3A_30 = arith.mulf %squeeze3A_29, %div3A_9 : vector<32x1280xf32>
    %slice3A_31 = vector.extract_strided_slice %exp3A {offsets = [17, 0, 0], sizes = [1, 32, 1280], strides = [1, 1, 1]} : vector<19x32x1280xf32> to vector<1x32x1280xf32>
    %squeeze3A_32 = vector.shape_cast %slice3A_31 : vector<1x32x1280xf32> to vector<32x1280xf32>
    %mul3A_33 = arith.mulf %squeeze3A_32, %div3A_9 : vector<32x1280xf32>
    %broadcast_in_dim3A_34 = arith.constant 0.000000e+00 : f32
    %broadcast_in_dim3A_35 = vector.broadcast %broadcast_in_dim3A_34 : f32 to vector<32x1280xf32>
    %stack3A = vector.shape_cast %mul3A : vector<32x1280xf32> to vector<1x32x1280xf32>
    %stack3A_36 = vector.shape_cast %mul3A_13 : vector<32x1280xf32> to vector<1x32x1280xf32>
    %stack3A_37 = vector.shape_cast %mul3A_24 : vector<32x1280xf32> to vector<1x32x1280xf32>
    %stack3A_38 = vector.shape_cast %mul3A_27 : vector<32x1280xf32> to vector<1x32x1280xf32>
    %stack3A_39 = vector.shape_cast %mul3A_30 : vector<32x1280xf32> to vector<1x32x1280xf32>
    %stack3A_40 = vector.shape_cast %mul3A_33 : vector<32x1280xf32> to vector<1x32x1280xf32>
    %stack3A_41 = vector.shape_cast %broadcast_in_dim3A_35 : vector<32x1280xf32> to vector<1x32x1280xf32>
    %stack3A_42 = vector.shape_cast %broadcast_in_dim3A_35 : vector<32x1280xf32> to vector<1x32x1280xf32>
    %stack3A_43 = vector.shape_cast %broadcast_in_dim3A_35 : vector<32x1280xf32> to vector<1x32x1280xf32>
    %stack3A_44 = vector.shape_cast %broadcast_in_dim3A_35 : vector<32x1280xf32> to vector<1x32x1280xf32>
    %stack3A_45 = vector.shape_cast %broadcast_in_dim3A_35 : vector<32x1280xf32> to vector<1x32x1280xf32>
    %stack3A_46 = vector.shape_cast %broadcast_in_dim3A_35 : vector<32x1280xf32> to vector<1x32x1280xf32>
    %stack3A_47 = vector.shape_cast %broadcast_in_dim3A_35 : vector<32x1280xf32> to vector<1x32x1280xf32>
    %stack3A_48 = vector.shape_cast %broadcast_in_dim3A_35 : vector<32x1280xf32> to vector<1x32x1280xf32>
    %stack3A_49 = vector.shape_cast %broadcast_in_dim3A_35 : vector<32x1280xf32> to vector<1x32x1280xf32>
    %stack3A_50 = vector.shape_cast %broadcast_in_dim3A_35 : vector<32x1280xf32> to vector<1x32x1280xf32>
    %stack3A_51 = tpu.concatenate %stack3A, %stack3A_36, %stack3A_37, %stack3A_38, %stack3A_39, %stack3A_40, %stack3A_41, %stack3A_42, %stack3A_43, %stack3A_44, %stack3A_45, %stack3A_46, %stack3A_47, %stack3A_48, %stack3A_49, %stack3A_50 in 0 : vector<1x32x1280xf32>, vector<1x32x1280xf32>, vector<1x32x1280xf32>, vector<1x32x1280xf32>, vector<1x32x1280xf32>, vector<1x32x1280xf32>, vector<1x32x1280xf32>, vector<1x32x1280xf32>, vector<1x32x1280xf32>, vector<1x32x1280xf32>, vector<1x32x1280xf32>, vector<1x32x1280xf32>, vector<1x32x1280xf32>, vector<1x32x1280xf32>, vector<1x32x1280xf32>, vector<1x32x1280xf32> -> vector<16x32x1280xf32>
    %swap3A = arith.constant 0 : index
    %swap3A_52 = arith.constant 0 : index
    %swap3A_53 = arith.constant 0 : index
    %swap3A_54 = arith.constant 0 : index
    %swap3A_55 = vector.load %arg3[%swap3A, %swap3A_52, %swap3A_53, %swap3A_54] : memref<16x1x32x1280xf32, #tpu.memory_space<vmem>>, vector<16x1x32x1280xf32>
    %swap3A_56 = vector.shape_cast %swap3A_55 : vector<16x1x32x1280xf32> to vector<16x32x1280xf32>
    %swap3A_57 = vector.shape_cast %stack3A_51 : vector<16x32x1280xf32> to vector<16x1x32x1280xf32>
    tpu.vector_store %arg3[%swap3A, %swap3A_52, %swap3A_53, %swap3A_54], %swap3A_57 {strides = array<i32>} : memref<16x1x32x1280xf32, #tpu.memory_space<vmem>>, vector<16x1x32x1280xf32>,
    return
  }
  func.func @transform_0(%arg0: i32, %arg1: i32) -> (i32, i32, i32, i32) {
    %c0_i32 = arith.constant 0 : i32
    %c0_i32_0 = arith.constant 0 : i32
    %c0_i32_1 = arith.constant 0 : i32
    return %arg0, %c0_i32, %arg1, %c0_i32_0 : i32, i32, i32, i32
  }
  func.func @transform_1(%arg0: i32, %arg1: i32) -> (i32, i32, i32, i32) {
    %c0_i32 = arith.constant 0 : i32
    %c0_i32_0 = arith.constant 0 : i32
    %c0_i32_1 = arith.constant 0 : i32
    return %c0_i32, %arg0, %arg1, %c0_i32_0 : i32, i32, i32, i32
  }
}

module attributes {stable_mosaic.version = 14 : i64} {
  func.func @_finish_block(%arg0: i32, %arg1: memref<512x128xf32, #tpu.memory_space<vmem>>, %arg2: memref<512x8xf32, #tpu.memory_space<vmem>>, %arg3: memref<512x8xf32, #tpu.memory_space<vmem>>, %arg4: memref<1x128xf32, #tpu.memory_space<vmem>>, %arg5: memref<512x128xf32, #tpu.memory_space<vmem>>) attributes {dimension_semantics = [#tpu.dimension_semantics<arbitrary>], iteration_bounds = array<i64: 30>, scalar_prefetch = 0 : i64, scratch_operands = 0 : i64, tpu.core_type = #tpu.core_type<tc>, window_params = [{transform_indices = @transform_0, window_bounds = array<i64: 512, 128>}, {transform_indices = @transform_1, window_bounds = array<i64: 512, 8>}, {transform_indices = @transform_2, window_bounds = array<i64: 512, 8>}, {pipeline_mode = #tpu.pipeline_mode<synchronous>, transform_indices = @transform_3, window_bounds = array<i64: 1, 128>}, {transform_indices = @transform_4, window_bounds = array<i64: 512, 128>}]} {
    %get3A = arith.constant 0 : index
    %get3A_0 = arith.constant 0 : index
    %get3A_1 = vector.load %arg1[%get3A, %get3A_0] : memref<512x128xf32, #tpu.memory_space<vmem>>, vector<512x128xf32>
    %get3A_2 = arith.constant 0 : index
    %get3A_3 = arith.constant 0 : index
    %get3A_4 = vector.load %arg2[%get3A_2, %get3A_3] : memref<512x8xf32, #tpu.memory_space<vmem>>, vector<512x8xf32>
    %get3A_5 = arith.constant 0 : index
    %get3A_6 = arith.constant 0 : index
    %get3A_7 = vector.load %arg3[%get3A_5, %get3A_6] : memref<512x8xf32, #tpu.memory_space<vmem>>, vector<512x8xf32>
    %get3A_8 = arith.constant 0 : index
    %get3A_9 = arith.constant 0 : index
    %get3A_10 = vector.load %arg4[%get3A_8, %get3A_9] : memref<1x128xf32, #tpu.memory_space<vmem>>, vector<1x128xf32>
    %broadcast_in_dim3A = vector.shape_cast %get3A_4 : vector<512x8xf32> to vector<512x8x1xf32>
    %broadcast_in_dim3A_11 = vector.shape_cast %broadcast_in_dim3A : vector<512x8x1xf32> to vector<512x8x1xf32>
    %broadcast_in_dim3A_12 = vector.broadcast %broadcast_in_dim3A_11 : vector<512x8x1xf32> to vector<512x8x16xf32>
    %reshape3A = vector.shape_cast %broadcast_in_dim3A_12 : vector<512x8x16xf32> to vector<512x128xf32>
    %broadcast_in_dim3A_13 = vector.shape_cast %get3A_7 : vector<512x8xf32> to vector<512x8x1xf32>
    %broadcast_in_dim3A_14 = vector.shape_cast %broadcast_in_dim3A_13 : vector<512x8x1xf32> to vector<512x8x1xf32>
    %broadcast_in_dim3A_15 = vector.broadcast %broadcast_in_dim3A_14 : vector<512x8x1xf32> to vector<512x8x16xf32>
    %reshape3A_16 = vector.shape_cast %broadcast_in_dim3A_15 : vector<512x8x16xf32> to vector<512x128xf32>
    %mul3A = vector.broadcast %get3A_10 : vector<1x128xf32> to vector<512x128xf32>
    %mul3A_17 = arith.mulf %reshape3A_16, %mul3A : vector<512x128xf32>
    %sub3A = arith.subf %get3A_1, %mul3A_17 : vector<512x128xf32>
    %mul3A_18 = arith.mulf %sub3A, %reshape3A : vector<512x128xf32>
    %swap3A = arith.constant 0 : index
    %swap3A_19 = arith.constant 0 : index
    %swap3A_20 = vector.load %arg5[%swap3A, %swap3A_19] : memref<512x128xf32, #tpu.memory_space<vmem>>, vector<512x128xf32>
    tpu.vector_store %arg5[%swap3A, %swap3A_19], %mul3A_18 {strides = array<i32>} : memref<512x128xf32, #tpu.memory_space<vmem>>, vector<512x128xf32>,
    return
  }
  func.func @transform_0(%arg0: i32) -> (i32, i32) {
    %c0_i32 = arith.constant 0 : i32
    %c0_i32_0 = arith.constant 0 : i32
    return %arg0, %c0_i32 : i32, i32
  }
  func.func @transform_1(%arg0: i32) -> (i32, i32) {
    %c0_i32 = arith.constant 0 : i32
    %c0_i32_0 = arith.constant 0 : i32
    return %arg0, %c0_i32 : i32, i32
  }
  func.func @transform_2(%arg0: i32) -> (i32, i32) {
    %c0_i32 = arith.constant 0 : i32
    %c0_i32_0 = arith.constant 0 : i32
    return %arg0, %c0_i32 : i32, i32
  }
  func.func @transform_3(%arg0: i32) -> (i32, i32) {
    %c0_i32 = arith.constant 0 : i32
    %c0_i32_0 = arith.constant 0 : i32
    %c0_i32_1 = arith.constant 0 : i32
    return %c0_i32, %c0_i32_0 : i32, i32
  }
  func.func @transform_4(%arg0: i32) -> (i32, i32) {
    %c0_i32 = arith.constant 0 : i32
    %c0_i32_0 = arith.constant 0 : i32
    return %arg0, %c0_i32 : i32, i32
  }
}

</mosaic_0001>

<sc_bundles>
// kernel: kernel.6.cloned.1.call-start
scs
__scs_entry_jumppad:
0x0: {  	(pc) =	sbr.rel $0x88, $3  }
0x1: {  	(tag) =	ssettag $0x0;
	lr =	simm.s32 $0x1  }
0x2: {  	[smem:$0x3F9E] =	sst lr;
	_ =	strace $0xD0000000  }
0x3: {  	_ = 	snop  }
0x4: {  	_ = 	snop  }
0x5: {  	_ = 	snop  }
0x6: {  	_ = 	snop  }
0x7: {  	_ = 	snop  }
__scs_overlays_trampoline_lowered:
0x8: {  	[smem:$0x3FAD] =	sst s0  }
0x9: {  	[smem:$0x3FAE] =	sst s1  }
0xa: {  	[smem:$0x3FAF] =	sst s2  }
0xb: {  	[smem:$0x3FB0] =	sst s3  }
0xc: {  	[smem:$0x3FB1] =	sst s4  }
0xd: {  	[smem:$0x3FB2] =	sst s5  }
0xe: {  	[smem:$0x3FB3] =	sst s6  }
0xf: {  	[smem:$0x3FB4] =	sst s7  }
0x10: {  	[smem:$0x3FB5] =	sst s8  }
0x11: {  	[smem:$0x3FB6] =	sst s9;
	s0 =	simm.s32 @!p0 $0x0  }
0x12: {  	s1 =	sld [smem:$0x3F9C];
	s0 =	simm.s32 @p0 $0x1  }
0x13: {  	[smem:$0x3FB7] =	sst s0;
	s0 =	simm.s32 @!p1 $0x0  }
0x14: {  	s2 =	sld [smem:$0x3F9B];
	s0 =	simm.s32 @p1 $0x1  }
0x15: {  	[smem:$0x3FB8] =	sst s0;
	s0 =	simm.s32 @!p2 $0x0  }
0x16: {  	s3 =	sld [smem:$0x3FDB];
	s0 =	simm.s32 @p2 $0x1  }
0x17: {  	s4 =	simm.s32 $0x1BF5;
	[smem:$0x3FBA] =	sst s0  }
0x18: {  	s0 =	sld [smem:$0x3F9D];
	_ =	swait.ge [sflag:s4], $0x0  }
0x19: {  	s7 =	sld [smem:$0x3F9E]  }
0x1a: {  	s8 =	sadd.s32 $0xFFFFE003, lr  }
0x1b: {  	s9 =	sadd.s32 $0xFFFFFEF7, lr;
	s5 =	simm.s32 $0xFFFFFFFF;
	p2 =	slt.u32 s8, $0xFFFFF086  }
0x1c: {  	p1 =	slt.u32 s9, $0xF7A;
	s5 =	simm.s32 @!p2 $0x0  }
0x1d: {  	s5 =	simm.s32 @p1 $0x1;
	p0 =	seq.s32 s7, s2  }
0x1e: {  	s7 =	smul.u32 @!p0 $0xF7A, s2;
	p2 =	seq.s32 @!p0 s5, $0x0  }
0x1f: {  	s9 =	smul.u32 $0xF7A, s1;
	s8 =	simm.s32 @!p0 $0x1BF5;
	p2 =	por !p2, p0  }
0x20: {  	[sflag:s8] =	ssyncset.s32 @!p0 $0xFFFFF086;
	s6 =	sadd.s32 @!p0 s3, s7;
	s7 =	simm.s32 @!p0 $0x108  }
0x21: {  	s3 =	sadd.s32 s3, s9;
	s6 =	sadd.s32 @!p0 $0x88, s6;
	s7 =	simm.s32 @p2 $0x1082  }
0x22: {  	[simem:s7], [sflag:s8] =	dma.local @!p0 [hbm:s6], $0xF7A  }
0x23: {  	s9 =	sor.u32 $0xD0000000, s2;
	s6 =	simm.s32 $0x108;
	_ =	swait.ge @!p0 [sflag:s8], $0x0  }
0x24: {  	s3 =	sadd.s32 $0x88, s3;
	s6 =	simm.s32 @!p1 $0x1082;
	[sflag:s4] =	ssyncset.s32 $0xFFFFF086  }
0x25: {  	[simem:s6], [sflag:s4] =	dma.local [hbm:s3], $0xF7A  }
0x26: {  	[smem:$0x3F9E] =	sst s1;
	(tag) =	ssettag s2;
	_ =	strace s9  }
0x27: {  	s1 =	sld [smem:$0x3FAE]  }
0x28: {  	s2 =	sld [smem:$0x3FAF]  }
0x29: {  	s4 =	sld [smem:$0x3FB1]  }
0x2a: {  	p0 =	seq.s32 s5, $0x0;
	s5 =	sld [smem:$0x3FB2]  }
0x2b: {  	s6 =	sld [smem:$0x3FB3]  }
0x2c: {  	s7 =	sld [smem:$0x3FB4]  }
0x2d: {  	s3 =	simm.s32 $0x108;
	s8 =	sld [smem:$0x3FB5]  }
0x2e: {  	s3 =	simm.s32 @!p0 $0x1082;
	s9 =	sld [smem:$0x3FB6]  }
0x2f: {  	lr =	sadd.s32 s0, s3;
	s0 =	sld [smem:$0x3FAD]  }
0x30: {  	s3 =	sld [smem:$0x3FB0]  }
0x31: {  	[smem:$0x3FB9] =	sst s10  }
0x32: {  	s10 =	sld [smem:$0x3FB7];
	_ =	sdelay $0x3  }
0x33: {  	p0 =	seq.s32 s10, $0x1;
	s10 =	sld [smem:$0x3FB9];
	_ =	sdelay $0x3  }
0x34: {  	[smem:$0x3FB9] =	sst s10  }
0x35: {  	s10 =	sld [smem:$0x3FB8];
	_ =	sdelay $0x3  }
0x36: {  	p1 =	seq.s32 s10, $0x1;
	s10 =	sld [smem:$0x3FB9];
	_ =	sdelay $0x3  }
0x37: {  	[smem:$0x3FB9] =	sst s10  }
0x38: {  	s10 =	sld [smem:$0x3FBA]  }
0x39: {  	_ = 	snop;
	(pc) =	sbr.ind lr, $3  }
0x3a: {  	_ = 	snop  }
0x3b: {  	_ = 	snop  }
0x3c: {  	p2 =	seq.s32 s10, $0x1;
	s10 =	sld [smem:$0x3FB9]  }
0x3d: {  	_ =	shalt  }
0x3e: {  	_ =	shalt  }
0x3f: {  	_ =	shalt  }
0x40: {  	_ =	shalt  }
0x41: {  	_ =	shalt  }
0x42: {  	_ =	shalt  }
0x43: {  	_ =	shalt  }
0x44: {  	_ =	shalt  }
0x45: {  	_ =	shalt  }
0x46: {  	_ =	shalt  }
0x47: {  	_ =	shalt  }
0x48: {  	_ =	shalt  }
0x49: {  	_ =	shalt  }
0x4a: {  	_ =	shalt  }
0x4b: {  	_ =	shalt  }
0x4c: {  	_ =	shalt  }
0x4d: {  	_ =	shalt  }
0x4e: {  	_ =	shalt  }
0x4f: {  	_ =	shalt  }
0x50: {  	_ =	shalt  }
0x51: {  	_ =	shalt  }
0x52: {  	_ =	shalt  }
0x53: {  	_ =	shalt  }
0x54: {  	_ =	shalt  }
0x55: {  	_ =	shalt  }
0x56: {  	_ =	shalt  }
0x57: {  	_ =	shalt  }
0x58: {  	_ =	shalt  }
0x59: {  	_ =	shalt  }
0x5a: {  	_ =	shalt  }
0x5b: {  	_ =	shalt  }
0x5c: {  	_ =	shalt  }
0x5d: {  	_ =	shalt  }
0x5e: {  	_ =	shalt  }
0x5f: {  	_ =	shalt  }
0x60: {  	_ =	shalt  }
0x61: {  	_ =	shalt  }
0x62: {  	_ =	shalt  }
0x63: {  	_ =	shalt  }
0x64: {  	_ =	shalt  }
0x65: {  	_ =	shalt  }
0x66: {  	_ =	shalt  }
0x67: {  	_ =	shalt  }
0x68: {  	_ =	shalt  }
0x69: {  	_ =	shalt  }
0x6a: {  	_ =	shalt  }
0x6b: {  	_ =	shalt  }
0x6c: {  	_ =	shalt  }
0x6d: {  	_ =	shalt  }
0x6e: {  	_ =	shalt  }
0x6f: {  	_ =	shalt  }
0x70: {  	_ =	shalt  }
0x71: {  	_ =	shalt  }
0x72: {  	_ =	shalt  }
0x73: {  	_ =	shalt  }
0x74: {  	_ =	shalt  }
0x75: {  	_ =	shalt  }
0x76: {  	_ =	shalt  }
0x77: {  	_ =	shalt  }
0x78: {  	_ =	shalt  }
0x79: {  	_ =	shalt  }
0x7a: {  	_ =	shalt  }
0x7b: {  	_ =	shalt  }
0x7c: {  	_ =	shalt  }
0x7d: {  	_ =	shalt  }
0x7e: {  	_ =	shalt  }
0x7f: {  	_ =	shalt  }
0x80: {  	_ =	shalt  }
0x81: {  	_ =	shalt  }
0x82: {  	_ =	shalt  }
0x83: {  	_ =	shalt  }
0x84: {  	_ =	shalt  }
0x85: {  	_ =	shalt  }
0x86: {  	_ =	shalt  }
0x87: {  	_ =	shalt  }
.Lfunc_end0:
.L_simem_size_0:
called_computation_lowered:
.L_overlay_start_0:
0x88: {  	s2 =	sld [smem:$0x3FD9]  }
0x89: {  	s3 =	sld [smem:$0x3FFE];
	_ =	sdelay $0x1  }
0x8a: {  	s1 =	srdreg.scid  }
0x8b: {  	s0 =	sand.u32 $0x1, s1  }
0x8c: {  	s17 =	sshll.u32 s0, $0xA;
	s2 =	sadd.s32 s3, s2  }
0x8d: {  	s2 =	sadd.s32 s2, s17  }
0x8e: {  	[smem:$0x3FC5] =	sst s2  }
0x8f: {  	_ = 	snop  }
0x90: {  	s2 =	sld [smem:$0x3FD0];
	(tm) =	ssettm $0x1  }
0x91: {  	s18 =	sld [smem:$0x3FFB];
	_ =	sdelay $0x3  }
0x92: {  	_ =	strace s18  }
0x93: {  	s3 =	sld [smem:$0x3FFC];
	_ =	sdelay $0x3  }
0x94: {  	_ =	strace s3  }
0x95: {  	s3 =	sld [smem:$0x3FFD];
	_ =	sdelay $0x3  }
0x96: {  	_ =	strace s3  }
0x97: {  	_ =	strace $0x8FFFFFFF  }
0x98: {  	s19 =	sld [smem:$0x3FDB];
	_ =	sdelay $0x1  }
0x99: {  	s4 =	simm.s32 $_scs_section_size  }
0x9a: {  	s5 =	simm.s32 $_size__tile_overlayer_lowered;
	s6 =	simm.s32 $_tile_overlayer_lowered  }
0x9b: {  	s22 =	simm.s32 $0x1BFF;
	s21 =	sshll.u32 s6, $0x1;
	s3 =	sadd.s32 s4, s19  }
0x9c: {  	s7 =	simm.s32 $0x0;
	s20 =	sshll.u32 s5, $0x1;
	s5 =	sadd.s32 s21, s3  }
0x9d: {  	[timem:s7], [sflag:s22] =	dma.local [hbm:s5], s20  }
0x9e: {  	_ =	swait.ge [sflag:s22], s20  }
0x9f: {  	s4 =	ssub.s32 $0x0, s20;
	[sflag:s22] =	ssyncset.done $0x0  }
0xa0: {  	[sflag:s22] =	ssyncadd.s32 s4;
	_ =	sdelay $0x1  }
0xa1: {  	s23 =	simm.s32 $0x1B8B  }
0xa2: {  	_ =	swait.ge [sflag:s23], $0x1  }
0xa3: {  	[sflag:s23] =	ssyncset.done $0x0  }
0xa4: {  	s25 =	simm.s32 $0x1B8E;
	s24 =	sld [smem:$0x3FFE];
	[sflag:s23] =	ssyncadd.s32 $0xFFFFFFFF  }
0xa5: {  	s26 =	simm.s32 $execute0_lowered;
	[smem:$0x3FD2] =	sst s25  }
0xa6: {  	s5 =	sshll.u32 s26, $0x1;
	_ =	strace $0x80000046;
	[dreg:$0x1] =	wrdreg $0xFFFFFFFF  }
0xa7: {  	s28 =	simm.s32 $_size_execute0_lowered;
	s3 =	sadd.s32 s3, s5;
	[dreg:$0x0] =	wrdreg $0x0  }
0xa8: {  	s5 =	sshll.u32 s28, $0x1;
	[dreg:$0x2] =	wrdreg s3  }
0xa9: {  	[dreg:$0x3] =	wrdreg s5  }
0xaa: {  	[dreg:$0x4] =	wrdreg $0xC0  }
0xab: {  	_ =	task [dreg:s7], $0x5FFFF  }
0xac: {  	[dreg:$0x1] =	wrdreg $0xFFFFFFFF  }
0xad: {  	[dreg:$0x0] =	wrdreg $0x60  }
0xae: {  	[dreg:$0x2] =	wrdreg s2  }
0xaf: {  	[dreg:$0x3] =	wrdreg s24  }
0xb0: {  	[dreg:$0x4] =	wrdreg $0x9  }
0xb1: {  	_ =	task.clear_ibuf [dreg:s7], $0x5FFFF;
	_ =	strace $0x90000046  }
0xb2: {  	s29 =	simm.s32 $0x9;
	_ =	strace $0x80000048  }
0xb3: {  	_ =	swait.ge [sflag:s29], $0x1  }
0xb4: {  	[sflag:s29] =	ssyncadd.s32 $0xFFFFFFFF  }
0xb5: {  	_ =	strace $0x90000048  }
0xb6: {  	_ =	sfence  }
0xb7: {  	s30 =	sld [smem:$0x0];
	_ =	sdelay $0x2  }
0xb8: {  	s31 =	sshll.u32 s1, $0xD;
	s1 =	sshrl.u32 s1, $0x2  }
0xb9: {  	s3 =	sand.u32 $0x4000, s31;
	s1 =	sadd.s32 s1, s30  }
0xba: {  	s0 =	sor.u32 s3, s0;
	s1 =	sshll.u32 s1, $0x11  }
0xbb: {  	s0 =	sor.u32 s1, s0  }
0xbc: {  	s0 =	sadd.s32 $0x8F2B, s0  }
0xbd: {  	[sflag:s0] =	ssyncadd.remote.s32 $0x1  }
0xbe: {  	_ =	sfence.sel $0xFFFF  }
0xbf: {  	[dreg:$0x0] =	wrdreg $0xFFFFFFFF;
	(pc) =	sbr.abs _section_cstart, $3  }
0xc0: {  	[dreg:$0x1] =	wrdreg $0xFFFFFFFF  }
0xc1: {  	_ =	task.clear_ibuf [dreg:s7], $0x2FFFF;
	_ =	strace $0x9FFFFFFF  }
0xc2: {  	(tm) =	ssettm $0x7FFFFFFF  }
0xc3: {  	_ =	shalt  }
tec
execute0_lowered:
.L_overlay_start_1:
0x0: {  	(tag) =	ssettag $0x1  }
0x1: {  	s4 =	rddreg [dreg:$0x0];
	s1 =	srdreg.scid  }
0x2: {  	s0 =	stileid.u32;
	s5 =	rddreg [dreg:$0x1];
	s2 =	simm.s32 $0x0  }
0x3: {  	s9 =	simm.s32 $0x4B00;
	s10 =	simm.s32 $0x1E00;
	s11 =	simm.s32 $0x2D00  }
0x4: {  	s12 =	simm.s32 $0x3C00;
	s3 =	sand.u32 $0x1, s1;
	s6 =	sshll.u32 s0, $0x1  }
0x5: {  	s13 =	simm.s32 $0x1;
	s1 =	rddreg [dreg:$0x2];
	s6 =	sor.u32 s3, s6  }
0x6: {  	s14 =	simm.s32 $0x0;
	[smem:$0x7FF] =	sst s2;
	s7 =	smul.u32 $0x1E00, s6  }
0x7: {  	_ =	strace $0x80000047;
	s8 =	ssub.s32 $0x2, s3;
	s6 =	smul.u32 $0x960, s6  }
0x8: {  	s3 =	sadd.s32 $0x7800, s5;
	s31 =	sshrl.u32 s8, $0x1;
	s5 =	sadd.s32 s7, s5  }
0x9: {  	s7 =	ssub.s32 s8, s31;
	s4 =	sadd.s32 s4, s6;
	s8 =	simm.s32 $0xF00  }
0xa: {  	v0 =	vimm.f32 $0.0e+00;
	s5 =	sadd.s32 $0x2A37800, s5;
	s6 =	smax.u32 s7, $0x1;
	s7 =	simm.s32 $0x2  }
.LBB2_1:
0xb: {  	[tilespmem:s2], [sflag:$0x2] =	stream.linear.gather [hbm4b:s4+s2], $0x4B00, $0x38;
	[tilespmem:$0x13B00] =	vst v63  }
0xc: {  	_ =	swait.ge [sflag:s7], $0x4B00  }
0xd: {  	[sflag:s7] =	ssyncset.done $0x0  }
0xe: {  	s15 =	simm.s32 $0x40;
	s16 =	simm.s32 $0x0;
	[sflag:s7] =	ssyncadd.s32 $0xFFFFB500  }
.LBB2_2:
0xf: {  	p0 =	sne.s32 s15, $0x3BFC0;
	[tilespmem:s16+$0x4B00] =	vst v0;
	s16 =	smov.u32 s15;
	s15 =	sadd.s32 $0x40, s15  }
.Ltmp0:
0x10: {  	(pc) =	sbr.rel @p0 .LBB2_2-.Ltmp0, $2  }
0x11: {  	_ =	sdelay $0x2  }
0x12: {  	s16 =	sshra.s32 s16, $0x2  }
0x13: {  	[tilespmem:s16+$0x4B00] =	vst v0  }
0x14: {  	[tilespmem:s9], [sflag:$0x1] =	stream.indirect.gather.add.f32 [hbm:s3], $0x10, s2, s8, $0xb8;
	[tilespmem:$0x13B00] =	vst v63  }
0x15: {  	_ = 	snop  }
0x16: {  	[tilespmem:s9], [sflag:$0x1] =	stream.indirect.gather.add.f32 [hbm:s3], $0x10, s8, s8, $0xb8;
	[tilespmem:$0x13B00] =	vst v63  }
0x17: {  	_ = 	snop  }
0x18: {  	[tilespmem:s9], [sflag:$0x1] =	stream.indirect.gather.add.f32 [hbm:s3], $0x10, s10, s8, $0xb8;
	[tilespmem:$0x13B00] =	vst v63  }
0x19: {  	_ = 	snop  }
0x1a: {  	[tilespmem:s9], [sflag:$0x1] =	stream.indirect.gather.add.f32 [hbm:s3], $0x10, s11, s8, $0xb8;
	[tilespmem:$0x13B00] =	vst v63  }
0x1b: {  	_ = 	snop  }
0x1c: {  	[tilespmem:s9], [sflag:$0x1] =	stream.indirect.gather.add.f32 [hbm:s3], $0x10, s12, s8, $0xb8;
	[tilespmem:$0x13B00] =	vst v63  }
0x1d: {  	_ =	swait.ge [sflag:s13], $0xF000  }
0x1e: {  	[sflag:s13] =	ssyncset.done $0x0  }
0x1f: {  	[sflag:s13] =	ssyncadd.s32 $0xFFFF1000  }
0x20: {  	_ =	swait.ge [sflag:s13], $0xF000  }
0x21: {  	[sflag:s13] =	ssyncset.done $0x0  }
0x22: {  	[sflag:s13] =	ssyncadd.s32 $0xFFFF1000  }
0x23: {  	_ =	swait.ge [sflag:s13], $0xF000  }
0x24: {  	[sflag:s13] =	ssyncset.done $0x0  }
0x25: {  	[sflag:s13] =	ssyncadd.s32 $0xFFFF1000  }
0x26: {  	_ =	swait.ge [sflag:s13], $0xF000  }
0x27: {  	[sflag:s13] =	ssyncset.done $0x0  }
0x28: {  	[sflag:s13] =	ssyncadd.s32 $0xFFFF1000  }
0x29: {  	s14 =	sadd.s32 $0x1, s14;
	_ =	swait.ge [sflag:s13], $0xF000  }
0x2a: {  	p0 =	sne.s32 s14, s6;
	[sflag:s13] =	ssyncset.done $0x0  }
.Ltmp1:
0x2b: {  	[sflag:s13] =	ssyncadd.s32 $0xFFFF1000;
	(pc) =	sbr.rel @p0 .LBB2_1-.Ltmp1, $4  }
0x2c: {  	[hbm4b:s5+s2] =	stream.linear.scatter [tilespmem:s9], [sflag:$0x2], $0xF000, $0x38;
	[tilespmem:$0x13B00] =	vst v63  }
0x2d: {  	_ =	swait.ge [sflag:s7], $0xF000  }
0x2e: {  	[sflag:s7] =	ssyncset.done $0x0  }
0x2f: {  	[sflag:s7] =	ssyncadd.s32 $0xFFFF1000  }
0x30: {  	_ =	sfence.sel $0x180000  }
0x31: {  	[bflag:$0x0] =	sbarrier.arrive $0xFFFF  }
0x32: {  	p0 =	sne.s32 s0, $0x0;
	_ =	strace $0x90000047  }
0x33: {  	s0 =	sadd.s32 @!p0 $0x100000, s1;
	[bflag:$0x2] =	sbarrier.arrive $0xFFFF  }
0x34: {  	[sflag:s0] =	ssyncadd.tile.s32 @!p0 $0x1;
	_ =	shalt  }
.Lfunc_end2:
_tile_overlayer_lowered:
.L_overlay_start_2:
0x35: {  	(tag) =	ssettag $0x2  }
0x36: {  	s0 =	rddreg [dreg:$0x0];
	s2 =	stileid.u32  }
0x37: {  	s1 =	rddreg [dreg:$0x1];
	p0 =	sne.s32 s2, $0x0  }
0x38: {  	s3 =	rddreg [dreg:$0x2];
	[bflag:$0x3] =	sbarrier.arrive $0xFFFF;
	s2 =	simm.s32 @!p0 $0x1C02  }
0x39: {  	[timem:s3], [sflag:s2] =	dma.local @!p0 [hbm:s0], s1  }
0x3a: {  	s0 =	simm.s32 @!p0 $0x2  }
0x3b: {  	_ =	swait.ge @!p0 [sflag:s0], s1  }
0x3c: {  	s1 =	ssub.s32 @!p0 $0x0, s1;
	[sflag:s0] =	ssyncset.done @!p0 $0x0  }
0x3d: {  	[sflag:s0] =	ssyncadd.s32 @!p0 s1  }
0x3e: {  	[bflag:$0x3] =	sbarrier.arrive $0xFFFF  }
0x3f: {  	_ =	shalt  }

</sc_bundles>
